<compile_context>
chip_gen: v7x
topology: tpu7x:2x2x1
jax: 0.10.2.dev20260603
libtpu: 0.0.44.dev20260713+nightly
codegen_flags: <defaults>
</compile_context>

<pallas_src>
import jax
import jax.numpy as jnp
from jax.experimental import pallas as pl
from jax.experimental.pallas import tpu as pltpu
from jax.experimental.pallas import tpu_sc as plsc

_VOCAB = 500
_EMBED = 10
_H1 = 16
_H2 = 32
_ACT = 6
_NEG = -1e30


def _policy_body(x_hbm, tab_hbm, w1_hbm, b1_hbm, w2_hbm, b2_hbm, w3_hbm,
                 b3_hbm, out_hbm, xs, tab_v, w1_v, b1_v, w2_v, b2_v, w3_v,
                 b3_v, out6, sem):
    c_x = pltpu.async_copy(x_hbm, xs.at[pl.ds(0, 1)], sem)
    c_tab = pltpu.async_copy(tab_hbm, tab_v.at[pl.ds(0, _VOCAB * _EMBED)],
                             sem)
    c_w1 = pltpu.async_copy(w1_hbm, w1_v, sem)
    c_b1 = pltpu.async_copy(b1_hbm, b1_v, sem)
    c_w2 = pltpu.async_copy(w2_hbm, w2_v, sem)
    c_b2 = pltpu.async_copy(b2_hbm, b2_v, sem)
    c_w3 = pltpu.async_copy(w3_hbm, w3_v.at[pl.ds(0, _H2 * _ACT)], sem)
    c_b3 = pltpu.async_copy(b3_hbm, b3_v.at[pl.ds(0, _ACT)], sem)

    iota = jax.lax.iota(jnp.int32, 16)
    c_x.wait()
    c_tab.wait()
    c_w1.wait()
    c_b1.wait()
    idx = xs[...][0]
    ev = tab_v[pl.ds(idx * _EMBED, 16)]

    h1 = b1_v[...]
    for i in range(_EMBED):
        h1 = h1 + ev[i] * w1_v[i, :]
    h1 = jnp.maximum(h1, 0.0)

    c_w2.wait()
    c_b2.wait()
    h2a = b2_v[pl.ds(0, 16)]
    h2b = b2_v[pl.ds(16, 16)]
    for i in range(_H1):
        s = h1[i]
        h2a = h2a + s * w2_v[i, pl.ds(0, 16)]
        h2b = h2b + s * w2_v[i, pl.ds(16, 16)]
    h2a = jnp.maximum(h2a, 0.0)
    h2b = jnp.maximum(h2b, 0.0)

    c_w3.wait()
    c_b3.wait()
    acc = b3_v[...]
    for i in range(_H1):
        acc = acc + h2a[i] * w3_v[pl.ds(i * _ACT, 16)]
    for i in range(_H1, _H2):
        acc = acc + h2b[i - _H1] * w3_v[pl.ds(i * _ACT, 16)]
    logits = jnp.where(iota < _ACT, acc, _NEG)

    m = logits[0]
    for j in range(1, _ACT):
        m = jnp.maximum(m, logits[j])
    e = jnp.exp(logits - m)
    s = e[0]
    for j in range(1, _ACT):
        s = s + e[j]
    p = e / s
    out6[...] = p
    pltpu.async_copy(out6.at[pl.ds(0, _ACT)], out_hbm, sem).wait()


@jax.jit
def _policy_sc(x, table, W1, b1, W2, b2, W3, b3):
    mesh = plsc.VectorSubcoreMesh(core_axis_name="c", subcore_axis_name="s",
                                  num_cores=1, num_subcores=1)
    f = pl.kernel(
        _policy_body,
        out_type=jax.ShapeDtypeStruct((_ACT,), jnp.float32),
        mesh=mesh,
        scratch_types=[
            pltpu.VMEM((16,), jnp.int32),
            pltpu.VMEM((_VOCAB * _EMBED + 16,), jnp.float32),
            pltpu.VMEM((_EMBED, _H1), jnp.float32),
            pltpu.VMEM((_H1,), jnp.float32),
            pltpu.VMEM((_H1, _H2), jnp.float32),
            pltpu.VMEM((_H2,), jnp.float32),
            pltpu.VMEM((_H2 * _ACT + 16,), jnp.float32),
            pltpu.VMEM((16,), jnp.float32),
            pltpu.VMEM((16,), jnp.float32),
            pltpu.SemaphoreType.DMA,
        ],
    )
    out = f(x.astype(jnp.int32), table.reshape(-1), W1, b1, W2, b2,
            W3.reshape(-1), b3)
    return out.reshape(1, _ACT)


def kernel(x, table, W1, b1, W2, b2, W3, b3):
    return _policy_sc(x, table, W1, b1, W2, b2, W3, b3)

# --- scband reference (transcript-rebuilt; emitter-appended) ---
"""Pipeline reference for scband-policy-network-19061064859987 (READ-ONLY COPY).

The authoritative reference and input builder live on the scoring server;
editing this copy changes nothing except your own understanding.
"""

import jax, jax.numpy as jnp
import numpy as np

OBS_SPACE_DIMS = 500
ACTION_SPACE_DIMS = 6
EMBED_DIM = 10
HIDDEN1 = 16
HIDDEN2 = 32

def setup_inputs(seed: int = 0) -> dict:
    key = jax.random.key(seed)
    ks = jax.random.split(key, 8)
    x = jax.random.randint(ks[0], (1,), 0, OBS_SPACE_DIMS, dtype=jnp.int64 if jax.config.jax_enable_x64 else jnp.int32)
    table = jax.random.normal(ks[1], (OBS_SPACE_DIMS, EMBED_DIM), dtype=jnp.float32)
    W1 = jax.random.normal(ks[2], (EMBED_DIM, HIDDEN1), dtype=jnp.float32) * (1.0 / np.sqrt(EMBED_DIM))
    b1 = jnp.zeros((HIDDEN1,), dtype=jnp.float32)
    W2 = jax.random.normal(ks[3], (HIDDEN1, HIDDEN2), dtype=jnp.float32) * (1.0 / np.sqrt(HIDDEN1))
    b2 = jnp.zeros((HIDDEN2,), dtype=jnp.float32)
    W3 = jax.random.normal(ks[4], (HIDDEN2, ACTION_SPACE_DIMS), dtype=jnp.float32) * (1.0 / np.sqrt(HIDDEN2))
    b3 = jnp.zeros((ACTION_SPACE_DIMS,), dtype=jnp.float32)
    return {"x": x, "table": table, "W1": W1, "b1": b1, "W2": W2, "b2": b2, "W3": W3, "b3": b3}

def reference(x, table, W1, b1, W2, b2, W3, b3):
    # embedding lookup then flatten to (1, -1), matching torch's .view(1, -1)
    emb = jnp.take(table, x, axis=0).reshape(1, -1)  # (1, 10)
    h1 = jax.nn.relu(emb @ W1 + b1)                  # (1, 16)
    h2 = jax.nn.relu(h1 @ W2 + b2)                   # (1, 32)
    logits = h2 @ W3 + b3                            # (1, 6)
    action_probs = jax.nn.softmax(logits, axis=1)
    return action_probs

if __name__ == "__main__":
    import jax
    _d = setup_inputs()
    print(jax.jit(kernel)(*tuple(_d.values())))

</pallas_src>

<mosaic_0001>
#map = affine_map<(d0, d1) -> (0)>
#map1 = affine_map<(d0, d1) -> (0, 0)>
module attributes {stable_mosaic.version = 14 : i64} {
  func.func @_policy_body(%arg0: i32, %arg1: i32, %arg2: memref<1xi32, #tpu.memory_space<hbm>>, %arg3: memref<5000xf32, #tpu.memory_space<hbm>>, %arg4: memref<10x16xf32, #tpu.memory_space<hbm>>, %arg5: memref<16xf32, #tpu.memory_space<hbm>>, %arg6: memref<16x32xf32, #tpu.memory_space<hbm>>, %arg7: memref<32xf32, #tpu.memory_space<hbm>>, %arg8: memref<192xf32, #tpu.memory_space<hbm>>, %arg9: memref<6xf32, #tpu.memory_space<hbm>>, %arg10: memref<6xf32, #tpu.memory_space<hbm>>, %arg11: memref<16xi32, #tpu.memory_space<vmem>>, %arg12: memref<5016xf32, #tpu.memory_space<vmem>>, %arg13: memref<10x16xf32, #tpu.memory_space<vmem>>, %arg14: memref<16xf32, #tpu.memory_space<vmem>>, %arg15: memref<16x32xf32, #tpu.memory_space<vmem>>, %arg16: memref<32xf32, #tpu.memory_space<vmem>>, %arg17: memref<208xf32, #tpu.memory_space<vmem>>, %arg18: memref<16xf32, #tpu.memory_space<vmem>>, %arg19: memref<16xf32, #tpu.memory_space<vmem>>, %arg20: memref<!tpu.dma_semaphore, #tpu.memory_space<semaphore_mem>>) attributes {dimension_semantics = [#tpu.dimension_semantics<core_parallel>, #tpu.dimension_semantics<subcore_parallel>], iteration_bounds = array<i64: 1, 1>, scalar_prefetch = 0 : i64, scratch_operands = 10 : i64, tpu.core_type = #tpu.core_type<sc_vector_subcore>, window_params = [{transform_indices = #map}, {transform_indices = #map}, {transform_indices = #map1}, {transform_indices = #map}, {transform_indices = #map1}, {transform_indices = #map}, {transform_indices = #map}, {transform_indices = #map}, {transform_indices = #map}]} {
    %dma_start3A = arith.constant 0 : i32
    %dma_start3A_0 = tpu.memref_slice %arg11[%dma_start3A] : memref<16xi32, #tpu.memory_space<vmem>> -> memref<1xi32, #tpu.memory_space<vmem>>
    %dma_start3A_1 = arith.constant 0 : i32
    %dma_start3A_2 = tpu.memref_slice %arg11[%dma_start3A_1] : memref<16xi32, #tpu.memory_space<vmem>> -> memref<1xi32, #tpu.memory_space<vmem>>
    tpu.enqueue_dma source(%arg2 : memref<1xi32, #tpu.memory_space<hbm>>) target(%dma_start3A_2 : memref<1xi32, #tpu.memory_space<vmem>>) target_semaphore(%arg20 : memref<!tpu.dma_semaphore, #tpu.memory_space<semaphore_mem>>)
    %dma_start3A_3 = arith.constant 0 : i32
    %dma_start3A_4 = tpu.memref_slice %arg12[%dma_start3A_3] : memref<5016xf32, #tpu.memory_space<vmem>> -> memref<5000xf32, #tpu.memory_space<vmem>>
    %dma_start3A_5 = arith.constant 0 : i32
    %dma_start3A_6 = tpu.memref_slice %arg12[%dma_start3A_5] : memref<5016xf32, #tpu.memory_space<vmem>> -> memref<5000xf32, #tpu.memory_space<vmem>>
    tpu.enqueue_dma source(%arg3 : memref<5000xf32, #tpu.memory_space<hbm>>) target(%dma_start3A_6 : memref<5000xf32, #tpu.memory_space<vmem>>) target_semaphore(%arg20 : memref<!tpu.dma_semaphore, #tpu.memory_space<semaphore_mem>>)
    tpu.enqueue_dma source(%arg4 : memref<10x16xf32, #tpu.memory_space<hbm>>) target(%arg13 : memref<10x16xf32, #tpu.memory_space<vmem>>) target_semaphore(%arg20 : memref<!tpu.dma_semaphore, #tpu.memory_space<semaphore_mem>>)
    tpu.enqueue_dma source(%arg5 : memref<16xf32, #tpu.memory_space<hbm>>) target(%arg14 : memref<16xf32, #tpu.memory_space<vmem>>) target_semaphore(%arg20 : memref<!tpu.dma_semaphore, #tpu.memory_space<semaphore_mem>>)
    tpu.enqueue_dma source(%arg6 : memref<16x32xf32, #tpu.memory_space<hbm>>) target(%arg15 : memref<16x32xf32, #tpu.memory_space<vmem>>) target_semaphore(%arg20 : memref<!tpu.dma_semaphore, #tpu.memory_space<semaphore_mem>>)
    tpu.enqueue_dma source(%arg7 : memref<32xf32, #tpu.memory_space<hbm>>) target(%arg16 : memref<32xf32, #tpu.memory_space<vmem>>) target_semaphore(%arg20 : memref<!tpu.dma_semaphore, #tpu.memory_space<semaphore_mem>>)
    %dma_start3A_7 = arith.constant 0 : i32
    %dma_start3A_8 = tpu.memref_slice %arg17[%dma_start3A_7] : memref<208xf32, #tpu.memory_space<vmem>> -> memref<192xf32, #tpu.memory_space<vmem>>
    %dma_start3A_9 = arith.constant 0 : i32
    %dma_start3A_10 = tpu.memref_slice %arg17[%dma_start3A_9] : memref<208xf32, #tpu.memory_space<vmem>> -> memref<192xf32, #tpu.memory_space<vmem>>
    tpu.enqueue_dma source(%arg8 : memref<192xf32, #tpu.memory_space<hbm>>) target(%dma_start3A_10 : memref<192xf32, #tpu.memory_space<vmem>>) target_semaphore(%arg20 : memref<!tpu.dma_semaphore, #tpu.memory_space<semaphore_mem>>)
    %dma_start3A_11 = arith.constant 0 : i32
    %dma_start3A_12 = tpu.memref_slice %arg18[%dma_start3A_11] : memref<16xf32, #tpu.memory_space<vmem>> -> memref<6xf32, #tpu.memory_space<vmem>>
    %dma_start3A_13 = arith.constant 0 : i32
    %dma_start3A_14 = tpu.memref_slice %arg18[%dma_start3A_13] : memref<16xf32, #tpu.memory_space<vmem>> -> memref<6xf32, #tpu.memory_space<vmem>>
    tpu.enqueue_dma source(%arg9 : memref<6xf32, #tpu.memory_space<hbm>>) target(%dma_start3A_14 : memref<6xf32, #tpu.memory_space<vmem>>) target_semaphore(%arg20 : memref<!tpu.dma_semaphore, #tpu.memory_space<semaphore_mem>>)
    %iota3A = tpu.iota {dimensions = array<i32: 0>} : vector<16xi32>
    %dma_wait3A = arith.constant 0 : i32
    %dma_wait3A_15 = tpu.memref_slice %arg11[%dma_wait3A] : memref<16xi32, #tpu.memory_space<vmem>> -> memref<1xi32, #tpu.memory_space<vmem>>
    %dma_wait3A_16 = arith.constant 0 : i32
    %dma_wait3A_17 = tpu.memref_slice %arg11[%dma_wait3A_16] : memref<16xi32, #tpu.memory_space<vmem>> -> memref<1xi32, #tpu.memory_space<vmem>>
    tpu.wait_dma2 semaphore(%arg20 : memref<!tpu.dma_semaphore, #tpu.memory_space<semaphore_mem>>) src(%arg2 : memref<1xi32, #tpu.memory_space<hbm>>) dst(%dma_wait3A_17 : memref<1xi32, #tpu.memory_space<vmem>>)
    %dma_wait3A_18 = arith.constant 0 : i32
    %dma_wait3A_19 = tpu.memref_slice %arg12[%dma_wait3A_18] : memref<5016xf32, #tpu.memory_space<vmem>> -> memref<5000xf32, #tpu.memory_space<vmem>>
    %dma_wait3A_20 = arith.constant 0 : i32
    %dma_wait3A_21 = tpu.memref_slice %arg12[%dma_wait3A_20] : memref<5016xf32, #tpu.memory_space<vmem>> -> memref<5000xf32, #tpu.memory_space<vmem>>
    tpu.wait_dma2 semaphore(%arg20 : memref<!tpu.dma_semaphore, #tpu.memory_space<semaphore_mem>>) src(%arg3 : memref<5000xf32, #tpu.memory_space<hbm>>) dst(%dma_wait3A_21 : memref<5000xf32, #tpu.memory_space<vmem>>)
    tpu.wait_dma2 semaphore(%arg20 : memref<!tpu.dma_semaphore, #tpu.memory_space<semaphore_mem>>) src(%arg4 : memref<10x16xf32, #tpu.memory_space<hbm>>) dst(%arg13 : memref<10x16xf32, #tpu.memory_space<vmem>>)
    tpu.wait_dma2 semaphore(%arg20 : memref<!tpu.dma_semaphore, #tpu.memory_space<semaphore_mem>>) src(%arg5 : memref<16xf32, #tpu.memory_space<hbm>>) dst(%arg14 : memref<16xf32, #tpu.memory_space<vmem>>)
    %get3A = arith.constant 0 : index
    %get3A_22 = tpu.vector_load %arg11[%get3A] {strides = array<i32>} : memref<16xi32, #tpu.memory_space<vmem>>, vector<16xi32>,
    %get3A_23 = vector.shape_cast %get3A_22 : vector<16xi32> to vector<16xi32>
    %slice3A = vector.extract_strided_slice %get3A_23 {offsets = [0], sizes = [1], strides = [1]} : vector<16xi32> to vector<1xi32>
    %squeeze3A = vector.extract %slice3A[0] : i32 from vector<1xi32>
    %mul3A = arith.constant 10 : i32
    %mul3A_24 = arith.muli %squeeze3A, %mul3A : i32
    %get3A_25 = arith.index_cast %mul3A_24 : i32 to index
    %get3A_26 = tpu.vector_load %arg12[%get3A_25] {strides = array<i32>} : memref<5016xf32, #tpu.memory_space<vmem>>, vector<16xf32>,
    %get3A_27 = vector.shape_cast %get3A_26 : vector<16xf32> to vector<16xf32>
    %get3A_28 = arith.constant 0 : index
    %get3A_29 = tpu.vector_load %arg14[%get3A_28] {strides = array<i32>} : memref<16xf32, #tpu.memory_space<vmem>>, vector<16xf32>,
    %get3A_30 = vector.shape_cast %get3A_29 : vector<16xf32> to vector<16xf32>
    %slice3A_31 = vector.extract_strided_slice %get3A_27 {offsets = [0], sizes = [1], strides = [1]} : vector<16xf32> to vector<1xf32>
    %squeeze3A_32 = vector.extract %slice3A_31[0] : f32 from vector<1xf32>
    %get3A_33 = arith.constant 0 : i32
    %get3A_34 = arith.index_cast %get3A_33 : i32 to index
    %get3A_35 = arith.constant 0 : index
    %get3A_36 = tpu.vector_load %arg13[%get3A_34, %get3A_35] {strides = array<i32>} : memref<10x16xf32, #tpu.memory_space<vmem>>, vector<1x16xf32>,
    %get3A_37 = vector.shape_cast %get3A_36 : vector<1x16xf32> to vector<16xf32>
    %mul3A_38 = vector.broadcast %squeeze3A_32 : f32 to vector<16xf32>
    %mul3A_39 = arith.mulf %mul3A_38, %get3A_37 : vector<16xf32>
    %add3A = arith.addf %get3A_30, %mul3A_39 : vector<16xf32>
    %slice3A_40 = vector.extract_strided_slice %get3A_27 {offsets = [1], sizes = [1], strides = [1]} : vector<16xf32> to vector<1xf32>
    %squeeze3A_41 = vector.extract %slice3A_40[0] : f32 from vector<1xf32>
    %get3A_42 = arith.constant 1 : i32
    %get3A_43 = arith.index_cast %get3A_42 : i32 to index
    %get3A_44 = arith.constant 0 : index
    %get3A_45 = tpu.vector_load %arg13[%get3A_43, %get3A_44] {strides = array<i32>} : memref<10x16xf32, #tpu.memory_space<vmem>>, vector<1x16xf32>,
    %get3A_46 = vector.shape_cast %get3A_45 : vector<1x16xf32> to vector<16xf32>
    %mul3A_47 = vector.broadcast %squeeze3A_41 : f32 to vector<16xf32>
    %mul3A_48 = arith.mulf %mul3A_47, %get3A_46 : vector<16xf32>
    %add3A_49 = arith.addf %add3A, %mul3A_48 : vector<16xf32>
    %slice3A_50 = vector.extract_strided_slice %get3A_27 {offsets = [2], sizes = [1], strides = [1]} : vector<16xf32> to vector<1xf32>
    %squeeze3A_51 = vector.extract %slice3A_50[0] : f32 from vector<1xf32>
    %get3A_52 = arith.constant 2 : i32
    %get3A_53 = arith.index_cast %get3A_52 : i32 to index
    %get3A_54 = arith.constant 0 : index
    %get3A_55 = tpu.vector_load %arg13[%get3A_53, %get3A_54] {strides = array<i32>} : memref<10x16xf32, #tpu.memory_space<vmem>>, vector<1x16xf32>,
    %get3A_56 = vector.shape_cast %get3A_55 : vector<1x16xf32> to vector<16xf32>
    %mul3A_57 = vector.broadcast %squeeze3A_51 : f32 to vector<16xf32>
    %mul3A_58 = arith.mulf %mul3A_57, %get3A_56 : vector<16xf32>
    %add3A_59 = arith.addf %add3A_49, %mul3A_58 : vector<16xf32>
    %slice3A_60 = vector.extract_strided_slice %get3A_27 {offsets = [3], sizes = [1], strides = [1]} : vector<16xf32> to vector<1xf32>
    %squeeze3A_61 = vector.extract %slice3A_60[0] : f32 from vector<1xf32>
    %get3A_62 = arith.constant 3 : i32
    %get3A_63 = arith.index_cast %get3A_62 : i32 to index
    %get3A_64 = arith.constant 0 : index
    %get3A_65 = tpu.vector_load %arg13[%get3A_63, %get3A_64] {strides = array<i32>} : memref<10x16xf32, #tpu.memory_space<vmem>>, vector<1x16xf32>,
    %get3A_66 = vector.shape_cast %get3A_65 : vector<1x16xf32> to vector<16xf32>
    %mul3A_67 = vector.broadcast %squeeze3A_61 : f32 to vector<16xf32>
    %mul3A_68 = arith.mulf %mul3A_67, %get3A_66 : vector<16xf32>
    %add3A_69 = arith.addf %add3A_59, %mul3A_68 : vector<16xf32>
    %slice3A_70 = vector.extract_strided_slice %get3A_27 {offsets = [4], sizes = [1], strides = [1]} : vector<16xf32> to vector<1xf32>
    %squeeze3A_71 = vector.extract %slice3A_70[0] : f32 from vector<1xf32>
    %get3A_72 = arith.constant 4 : i32
    %get3A_73 = arith.index_cast %get3A_72 : i32 to index
    %get3A_74 = arith.constant 0 : index
    %get3A_75 = tpu.vector_load %arg13[%get3A_73, %get3A_74] {strides = array<i32>} : memref<10x16xf32, #tpu.memory_space<vmem>>, vector<1x16xf32>,
    %get3A_76 = vector.shape_cast %get3A_75 : vector<1x16xf32> to vector<16xf32>
    %mul3A_77 = vector.broadcast %squeeze3A_71 : f32 to vector<16xf32>
    %mul3A_78 = arith.mulf %mul3A_77, %get3A_76 : vector<16xf32>
    %add3A_79 = arith.addf %add3A_69, %mul3A_78 : vector<16xf32>
    %slice3A_80 = vector.extract_strided_slice %get3A_27 {offsets = [5], sizes = [1], strides = [1]} : vector<16xf32> to vector<1xf32>
    %squeeze3A_81 = vector.extract %slice3A_80[0] : f32 from vector<1xf32>
    %get3A_82 = arith.constant 5 : i32
    %get3A_83 = arith.index_cast %get3A_82 : i32 to index
    %get3A_84 = arith.constant 0 : index
    %get3A_85 = tpu.vector_load %arg13[%get3A_83, %get3A_84] {strides = array<i32>} : memref<10x16xf32, #tpu.memory_space<vmem>>, vector<1x16xf32>,
    %get3A_86 = vector.shape_cast %get3A_85 : vector<1x16xf32> to vector<16xf32>
    %mul3A_87 = vector.broadcast %squeeze3A_81 : f32 to vector<16xf32>
    %mul3A_88 = arith.mulf %mul3A_87, %get3A_86 : vector<16xf32>
    %add3A_89 = arith.addf %add3A_79, %mul3A_88 : vector<16xf32>
    %slice3A_90 = vector.extract_strided_slice %get3A_27 {offsets = [6], sizes = [1], strides = [1]} : vector<16xf32> to vector<1xf32>
    %squeeze3A_91 = vector.extract %slice3A_90[0] : f32 from vector<1xf32>
    %get3A_92 = arith.constant 6 : i32
    %get3A_93 = arith.index_cast %get3A_92 : i32 to index
    %get3A_94 = arith.constant 0 : index
    %get3A_95 = tpu.vector_load %arg13[%get3A_93, %get3A_94] {strides = array<i32>} : memref<10x16xf32, #tpu.memory_space<vmem>>, vector<1x16xf32>,
    %get3A_96 = vector.shape_cast %get3A_95 : vector<1x16xf32> to vector<16xf32>
    %mul3A_97 = vector.broadcast %squeeze3A_91 : f32 to vector<16xf32>
    %mul3A_98 = arith.mulf %mul3A_97, %get3A_96 : vector<16xf32>
    %add3A_99 = arith.addf %add3A_89, %mul3A_98 : vector<16xf32>
    %slice3A_100 = vector.extract_strided_slice %get3A_27 {offsets = [7], sizes = [1], strides = [1]} : vector<16xf32> to vector<1xf32>
    %squeeze3A_101 = vector.extract %slice3A_100[0] : f32 from vector<1xf32>
    %get3A_102 = arith.constant 7 : i32
    %get3A_103 = arith.index_cast %get3A_102 : i32 to index
    %get3A_104 = arith.constant 0 : index
    %get3A_105 = tpu.vector_load %arg13[%get3A_103, %get3A_104] {strides = array<i32>} : memref<10x16xf32, #tpu.memory_space<vmem>>, vector<1x16xf32>,
    %get3A_106 = vector.shape_cast %get3A_105 : vector<1x16xf32> to vector<16xf32>
    %mul3A_107 = vector.broadcast %squeeze3A_101 : f32 to vector<16xf32>
    %mul3A_108 = arith.mulf %mul3A_107, %get3A_106 : vector<16xf32>
    %add3A_109 = arith.addf %add3A_99, %mul3A_108 : vector<16xf32>
    %slice3A_110 = vector.extract_strided_slice %get3A_27 {offsets = [8], sizes = [1], strides = [1]} : vector<16xf32> to vector<1xf32>
    %squeeze3A_111 = vector.extract %slice3A_110[0] : f32 from vector<1xf32>
    %get3A_112 = arith.constant 8 : i32
    %get3A_113 = arith.index_cast %get3A_112 : i32 to index
    %get3A_114 = arith.constant 0 : index
    %get3A_115 = tpu.vector_load %arg13[%get3A_113, %get3A_114] {strides = array<i32>} : memref<10x16xf32, #tpu.memory_space<vmem>>, vector<1x16xf32>,
    %get3A_116 = vector.shape_cast %get3A_115 : vector<1x16xf32> to vector<16xf32>
    %mul3A_117 = vector.broadcast %squeeze3A_111 : f32 to vector<16xf32>
    %mul3A_118 = arith.mulf %mul3A_117, %get3A_116 : vector<16xf32>
    %add3A_119 = arith.addf %add3A_109, %mul3A_118 : vector<16xf32>
    %slice3A_120 = vector.extract_strided_slice %get3A_27 {offsets = [9], sizes = [1], strides = [1]} : vector<16xf32> to vector<1xf32>
    %squeeze3A_121 = vector.extract %slice3A_120[0] : f32 from vector<1xf32>
    %get3A_122 = arith.constant 9 : i32
    %get3A_123 = arith.index_cast %get3A_122 : i32 to index
    %get3A_124 = arith.constant 0 : index
    %get3A_125 = tpu.vector_load %arg13[%get3A_123, %get3A_124] {strides = array<i32>} : memref<10x16xf32, #tpu.memory_space<vmem>>, vector<1x16xf32>,
    %get3A_126 = vector.shape_cast %get3A_125 : vector<1x16xf32> to vector<16xf32>
    %mul3A_127 = vector.broadcast %squeeze3A_121 : f32 to vector<16xf32>
    %mul3A_128 = arith.mulf %mul3A_127, %get3A_126 : vector<16xf32>
    %add3A_129 = arith.addf %add3A_119, %mul3A_128 : vector<16xf32>
    %max3A = arith.constant 0.000000e+00 : f32
    %max3A_130 = vector.broadcast %max3A : f32 to vector<16xf32>
    %max3A_131 = arith.maximumf %add3A_129, %max3A_130 : vector<16xf32>
    tpu.wait_dma2 semaphore(%arg20 : memref<!tpu.dma_semaphore, #tpu.memory_space<semaphore_mem>>) src(%arg6 : memref<16x32xf32, #tpu.memory_space<hbm>>) dst(%arg15 : memref<16x32xf32, #tpu.memory_space<vmem>>)
    tpu.wait_dma2 semaphore(%arg20 : memref<!tpu.dma_semaphore, #tpu.memory_space<semaphore_mem>>) src(%arg7 : memref<32xf32, #tpu.memory_space<hbm>>) dst(%arg16 : memref<32xf32, #tpu.memory_space<vmem>>)
    %get3A_132 = arith.constant 0 : index
    %get3A_133 = tpu.vector_load %arg16[%get3A_132] {strides = array<i32>} : memref<32xf32, #tpu.memory_space<vmem>>, vector<16xf32>,
    %get3A_134 = vector.shape_cast %get3A_133 : vector<16xf32> to vector<16xf32>
    %get3A_135 = arith.constant 16 : index
    %get3A_136 = tpu.vector_load %arg16[%get3A_135] {strides = array<i32>} : memref<32xf32, #tpu.memory_space<vmem>>, vector<16xf32>,
    %get3A_137 = vector.shape_cast %get3A_136 : vector<16xf32> to vector<16xf32>
    %slice3A_138 = vector.extract_strided_slice %max3A_131 {offsets = [0], sizes = [1], strides = [1]} : vector<16xf32> to vector<1xf32>
    %squeeze3A_139 = vector.extract %slice3A_138[0] : f32 from vector<1xf32>
    %get3A_140 = arith.constant 0 : i32
    %get3A_141 = arith.index_cast %get3A_140 : i32 to index
    %get3A_142 = arith.constant 0 : index
    %get3A_143 = tpu.vector_load %arg15[%get3A_141, %get3A_142] {strides = array<i32>} : memref<16x32xf32, #tpu.memory_space<vmem>>, vector<1x16xf32>,
    %get3A_144 = vector.shape_cast %get3A_143 : vector<1x16xf32> to vector<16xf32>
    %mul3A_145 = vector.broadcast %squeeze3A_139 : f32 to vector<16xf32>
    %mul3A_146 = arith.mulf %mul3A_145, %get3A_144 : vector<16xf32>
    %add3A_147 = arith.addf %get3A_134, %mul3A_146 : vector<16xf32>
    %get3A_148 = arith.constant 0 : i32
    %get3A_149 = arith.index_cast %get3A_148 : i32 to index
    %get3A_150 = arith.constant 16 : index
    %get3A_151 = tpu.vector_load %arg15[%get3A_149, %get3A_150] {strides = array<i32>} : memref<16x32xf32, #tpu.memory_space<vmem>>, vector<1x16xf32>,
    %get3A_152 = vector.shape_cast %get3A_151 : vector<1x16xf32> to vector<16xf32>
    %mul3A_153 = vector.broadcast %squeeze3A_139 : f32 to vector<16xf32>
    %mul3A_154 = arith.mulf %mul3A_153, %get3A_152 : vector<16xf32>
    %add3A_155 = arith.addf %get3A_137, %mul3A_154 : vector<16xf32>
    %slice3A_156 = vector.extract_strided_slice %max3A_131 {offsets = [1], sizes = [1], strides = [1]} : vector<16xf32> to vector<1xf32>
    %squeeze3A_157 = vector.extract %slice3A_156[0] : f32 from vector<1xf32>
    %get3A_158 = arith.constant 1 : i32
    %get3A_159 = arith.index_cast %get3A_158 : i32 to index
    %get3A_160 = arith.constant 0 : index
    %get3A_161 = tpu.vector_load %arg15[%get3A_159, %get3A_160] {strides = array<i32>} : memref<16x32xf32, #tpu.memory_space<vmem>>, vector<1x16xf32>,
    %get3A_162 = vector.shape_cast %get3A_161 : vector<1x16xf32> to vector<16xf32>
    %mul3A_163 = vector.broadcast %squeeze3A_157 : f32 to vector<16xf32>
    %mul3A_164 = arith.mulf %mul3A_163, %get3A_162 : vector<16xf32>
    %add3A_165 = arith.addf %add3A_147, %mul3A_164 : vector<16xf32>
    %get3A_166 = arith.constant 1 : i32
    %get3A_167 = arith.index_cast %get3A_166 : i32 to index
    %get3A_168 = arith.constant 16 : index
    %get3A_169 = tpu.vector_load %arg15[%get3A_167, %get3A_168] {strides = array<i32>} : memref<16x32xf32, #tpu.memory_space<vmem>>, vector<1x16xf32>,
    %get3A_170 = vector.shape_cast %get3A_169 : vector<1x16xf32> to vector<16xf32>
    %mul3A_171 = vector.broadcast %squeeze3A_157 : f32 to vector<16xf32>
    %mul3A_172 = arith.mulf %mul3A_171, %get3A_170 : vector<16xf32>
    %add3A_173 = arith.addf %add3A_155, %mul3A_172 : vector<16xf32>
    %slice3A_174 = vector.extract_strided_slice %max3A_131 {offsets = [2], sizes = [1], strides = [1]} : vector<16xf32> to vector<1xf32>
    %squeeze3A_175 = vector.extract %slice3A_174[0] : f32 from vector<1xf32>
    %get3A_176 = arith.constant 2 : i32
    %get3A_177 = arith.index_cast %get3A_176 : i32 to index
    %get3A_178 = arith.constant 0 : index
    %get3A_179 = tpu.vector_load %arg15[%get3A_177, %get3A_178] {strides = array<i32>} : memref<16x32xf32, #tpu.memory_space<vmem>>, vector<1x16xf32>,
    %get3A_180 = vector.shape_cast %get3A_179 : vector<1x16xf32> to vector<16xf32>
    %mul3A_181 = vector.broadcast %squeeze3A_175 : f32 to vector<16xf32>
    %mul3A_182 = arith.mulf %mul3A_181, %get3A_180 : vector<16xf32>
    %add3A_183 = arith.addf %add3A_165, %mul3A_182 : vector<16xf32>
    %get3A_184 = arith.constant 2 : i32
    %get3A_185 = arith.index_cast %get3A_184 : i32 to index
    %get3A_186 = arith.constant 16 : index
    %get3A_187 = tpu.vector_load %arg15[%get3A_185, %get3A_186] {strides = array<i32>} : memref<16x32xf32, #tpu.memory_space<vmem>>, vector<1x16xf32>,
    %get3A_188 = vector.shape_cast %get3A_187 : vector<1x16xf32> to vector<16xf32>
    %mul3A_189 = vector.broadcast %squeeze3A_175 : f32 to vector<16xf32>
    %mul3A_190 = arith.mulf %mul3A_189, %get3A_188 : vector<16xf32>
    %add3A_191 = arith.addf %add3A_173, %mul3A_190 : vector<16xf32>
    %slice3A_192 = vector.extract_strided_slice %max3A_131 {offsets = [3], sizes = [1], strides = [1]} : vector<16xf32> to vector<1xf32>
    %squeeze3A_193 = vector.extract %slice3A_192[0] : f32 from vector<1xf32>
    %get3A_194 = arith.constant 3 : i32
    %get3A_195 = arith.index_cast %get3A_194 : i32 to index
    %get3A_196 = arith.constant 0 : index
    %get3A_197 = tpu.vector_load %arg15[%get3A_195, %get3A_196] {strides = array<i32>} : memref<16x32xf32, #tpu.memory_space<vmem>>, vector<1x16xf32>,
    %get3A_198 = vector.shape_cast %get3A_197 : vector<1x16xf32> to vector<16xf32>
    %mul3A_199 = vector.broadcast %squeeze3A_193 : f32 to vector<16xf32>
    %mul3A_200 = arith.mulf %mul3A_199, %get3A_198 : vector<16xf32>
    %add3A_201 = arith.addf %add3A_183, %mul3A_200 : vector<16xf32>
    %get3A_202 = arith.constant 3 : i32
    %get3A_203 = arith.index_cast %get3A_202 : i32 to index
    %get3A_204 = arith.constant 16 : index
    %get3A_205 = tpu.vector_load %arg15[%get3A_203, %get3A_204] {strides = array<i32>} : memref<16x32xf32, #tpu.memory_space<vmem>>, vector<1x16xf32>,
    %get3A_206 = vector.shape_cast %get3A_205 : vector<1x16xf32> to vector<16xf32>
    %mul3A_207 = vector.broadcast %squeeze3A_193 : f32 to vector<16xf32>
    %mul3A_208 = arith.mulf %mul3A_207, %get3A_206 : vector<16xf32>
    %add3A_209 = arith.addf %add3A_191, %mul3A_208 : vector<16xf32>
    %slice3A_210 = vector.extract_strided_slice %max3A_131 {offsets = [4], sizes = [1], strides = [1]} : vector<16xf32> to vector<1xf32>
    %squeeze3A_211 = vector.extract %slice3A_210[0] : f32 from vector<1xf32>
    %get3A_212 = arith.constant 4 : i32
    %get3A_213 = arith.index_cast %get3A_212 : i32 to index
    %get3A_214 = arith.constant 0 : index
    %get3A_215 = tpu.vector_load %arg15[%get3A_213, %get3A_214] {strides = array<i32>} : memref<16x32xf32, #tpu.memory_space<vmem>>, vector<1x16xf32>,
    %get3A_216 = vector.shape_cast %get3A_215 : vector<1x16xf32> to vector<16xf32>
    %mul3A_217 = vector.broadcast %squeeze3A_211 : f32 to vector<16xf32>
    %mul3A_218 = arith.mulf %mul3A_217, %get3A_216 : vector<16xf32>
    %add3A_219 = arith.addf %add3A_201, %mul3A_218 : vector<16xf32>
    %get3A_220 = arith.constant 4 : i32
    %get3A_221 = arith.index_cast %get3A_220 : i32 to index
    %get3A_222 = arith.constant 16 : index
    %get3A_223 = tpu.vector_load %arg15[%get3A_221, %get3A_222] {strides = array<i32>} : memref<16x32xf32, #tpu.memory_space<vmem>>, vector<1x16xf32>,
    %get3A_224 = vector.shape_cast %get3A_223 : vector<1x16xf32> to vector<16xf32>
    %mul3A_225 = vector.broadcast %squeeze3A_211 : f32 to vector<16xf32>
    %mul3A_226 = arith.mulf %mul3A_225, %get3A_224 : vector<16xf32>
    %add3A_227 = arith.addf %add3A_209, %mul3A_226 : vector<16xf32>
    %slice3A_228 = vector.extract_strided_slice %max3A_131 {offsets = [5], sizes = [1], strides = [1]} : vector<16xf32> to vector<1xf32>
    %squeeze3A_229 = vector.extract %slice3A_228[0] : f32 from vector<1xf32>
    %get3A_230 = arith.constant 5 : i32
    %get3A_231 = arith.index_cast %get3A_230 : i32 to index
    %get3A_232 = arith.constant 0 : index
    %get3A_233 = tpu.vector_load %arg15[%get3A_231, %get3A_232] {strides = array<i32>} : memref<16x32xf32, #tpu.memory_space<vmem>>, vector<1x16xf32>,
    %get3A_234 = vector.shape_cast %get3A_233 : vector<1x16xf32> to vector<16xf32>
    %mul3A_235 = vector.broadcast %squeeze3A_229 : f32 to vector<16xf32>
    %mul3A_236 = arith.mulf %mul3A_235, %get3A_234 : vector<16xf32>
    %add3A_237 = arith.addf %add3A_219, %mul3A_236 : vector<16xf32>
    %get3A_238 = arith.constant 5 : i32
    %get3A_239 = arith.index_cast %get3A_238 : i32 to index
    %get3A_240 = arith.constant 16 : index
    %get3A_241 = tpu.vector_load %arg15[%get3A_239, %get3A_240] {strides = array<i32>} : memref<16x32xf32, #tpu.memory_space<vmem>>, vector<1x16xf32>,
    %get3A_242 = vector.shape_cast %get3A_241 : vector<1x16xf32> to vector<16xf32>
    %mul3A_243 = vector.broadcast %squeeze3A_229 : f32 to vector<16xf32>
    %mul3A_244 = arith.mulf %mul3A_243, %get3A_242 : vector<16xf32>
    %add3A_245 = arith.addf %add3A_227, %mul3A_244 : vector<16xf32>
    %slice3A_246 = vector.extract_strided_slice %max3A_131 {offsets = [6], sizes = [1], strides = [1]} : vector<16xf32> to vector<1xf32>
    %squeeze3A_247 = vector.extract %slice3A_246[0] : f32 from vector<1xf32>
    %get3A_248 = arith.constant 6 : i32
    %get3A_249 = arith.index_cast %get3A_248 : i32 to index
    %get3A_250 = arith.constant 0 : index
    %get3A_251 = tpu.vector_load %arg15[%get3A_249, %get3A_250] {strides = array<i32>} : memref<16x32xf32, #tpu.memory_space<vmem>>, vector<1x16xf32>,
    %get3A_252 = vector.shape_cast %get3A_251 : vector<1x16xf32> to vector<16xf32>
    %mul3A_253 = vector.broadcast %squeeze3A_247 : f32 to vector<16xf32>
    %mul3A_254 = arith.mulf %mul3A_253, %get3A_252 : vector<16xf32>
    %add3A_255 = arith.addf %add3A_237, %mul3A_254 : vector<16xf32>
    %get3A_256 = arith.constant 6 : i32
    %get3A_257 = arith.index_cast %get3A_256 : i32 to index
    %get3A_258 = arith.constant 16 : index
    %get3A_259 = tpu.vector_load %arg15[%get3A_257, %get3A_258] {strides = array<i32>} : memref<16x32xf32, #tpu.memory_space<vmem>>, vector<1x16xf32>,
    %get3A_260 = vector.shape_cast %get3A_259 : vector<1x16xf32> to vector<16xf32>
    %mul3A_261 = vector.broadcast %squeeze3A_247 : f32 to vector<16xf32>
    %mul3A_262 = arith.mulf %mul3A_261, %get3A_260 : vector<16xf32>
    %add3A_263 = arith.addf %add3A_245, %mul3A_262 : vector<16xf32>
    %slice3A_264 = vector.extract_strided_slice %max3A_131 {offsets = [7], sizes = [1], strides = [1]} : vector<16xf32> to vector<1xf32>
    %squeeze3A_265 = vector.extract %slice3A_264[0] : f32 from vector<1xf32>
    %get3A_266 = arith.constant 7 : i32
    %get3A_267 = arith.index_cast %get3A_266 : i32 to index
    %get3A_268 = arith.constant 0 : index
    %get3A_269 = tpu.vector_load %arg15[%get3A_267, %get3A_268] {strides = array<i32>} : memref<16x32xf32, #tpu.memory_space<vmem>>, vector<1x16xf32>,
    %get3A_270 = vector.shape_cast %get3A_269 : vector<1x16xf32> to vector<16xf32>
    %mul3A_271 = vector.broadcast %squeeze3A_265 : f32 to vector<16xf32>
    %mul3A_272 = arith.mulf %mul3A_271, %get3A_270 : vector<16xf32>
    %add3A_273 = arith.addf %add3A_255, %mul3A_272 : vector<16xf32>
    %get3A_274 = arith.constant 7 : i32
    %get3A_275 = arith.index_cast %get3A_274 : i32 to index
    %get3A_276 = arith.constant 16 : index
    %get3A_277 = tpu.vector_load %arg15[%get3A_275, %get3A_276] {strides = array<i32>} : memref<16x32xf32, #tpu.memory_space<vmem>>, vector<1x16xf32>,
    %get3A_278 = vector.shape_cast %get3A_277 : vector<1x16xf32> to vector<16xf32>
    %mul3A_279 = vector.broadcast %squeeze3A_265 : f32 to vector<16xf32>
    %mul3A_280 = arith.mulf %mul3A_279, %get3A_278 : vector<16xf32>
    %add3A_281 = arith.addf %add3A_263, %mul3A_280 : vector<16xf32>
    %slice3A_282 = vector.extract_strided_slice %max3A_131 {offsets = [8], sizes = [1], strides = [1]} : vector<16xf32> to vector<1xf32>
    %squeeze3A_283 = vector.extract %slice3A_282[0] : f32 from vector<1xf32>
    %get3A_284 = arith.constant 8 : i32
    %get3A_285 = arith.index_cast %get3A_284 : i32 to index
    %get3A_286 = arith.constant 0 : index
    %get3A_287 = tpu.vector_load %arg15[%get3A_285, %get3A_286] {strides = array<i32>} : memref<16x32xf32, #tpu.memory_space<vmem>>, vector<1x16xf32>,
    %get3A_288 = vector.shape_cast %get3A_287 : vector<1x16xf32> to vector<16xf32>
    %mul3A_289 = vector.broadcast %squeeze3A_283 : f32 to vector<16xf32>
    %mul3A_290 = arith.mulf %mul3A_289, %get3A_288 : vector<16xf32>
    %add3A_291 = arith.addf %add3A_273, %mul3A_290 : vector<16xf32>
    %get3A_292 = arith.constant 8 : i32
    %get3A_293 = arith.index_cast %get3A_292 : i32 to index
    %get3A_294 = arith.constant 16 : index
    %get3A_295 = tpu.vector_load %arg15[%get3A_293, %get3A_294] {strides = array<i32>} : memref<16x32xf32, #tpu.memory_space<vmem>>, vector<1x16xf32>,
    %get3A_296 = vector.shape_cast %get3A_295 : vector<1x16xf32> to vector<16xf32>
    %mul3A_297 = vector.broadcast %squeeze3A_283 : f32 to vector<16xf32>
    %mul3A_298 = arith.mulf %mul3A_297, %get3A_296 : vector<16xf32>
    %add3A_299 = arith.addf %add3A_281, %mul3A_298 : vector<16xf32>
    %slice3A_300 = vector.extract_strided_slice %max3A_131 {offsets = [9], sizes = [1], strides = [1]} : vector<16xf32> to vector<1xf32>
    %squeeze3A_301 = vector.extract %slice3A_300[0] : f32 from vector<1xf32>
    %get3A_302 = arith.constant 9 : i32
    %get3A_303 = arith.index_cast %get3A_302 : i32 to index
    %get3A_304 = arith.constant 0 : index
    %get3A_305 = tpu.vector_load %arg15[%get3A_303, %get3A_304] {strides = array<i32>} : memref<16x32xf32, #tpu.memory_space<vmem>>, vector<1x16xf32>,
    %get3A_306 = vector.shape_cast %get3A_305 : vector<1x16xf32> to vector<16xf32>
    %mul3A_307 = vector.broadcast %squeeze3A_301 : f32 to vector<16xf32>
    %mul3A_308 = arith.mulf %mul3A_307, %get3A_306 : vector<16xf32>
    %add3A_309 = arith.addf %add3A_291, %mul3A_308 : vector<16xf32>
    %get3A_310 = arith.constant 9 : i32
    %get3A_311 = arith.index_cast %get3A_310 : i32 to index
    %get3A_312 = arith.constant 16 : index
    %get3A_313 = tpu.vector_load %arg15[%get3A_311, %get3A_312] {strides = array<i32>} : memref<16x32xf32, #tpu.memory_space<vmem>>, vector<1x16xf32>,
    %get3A_314 = vector.shape_cast %get3A_313 : vector<1x16xf32> to vector<16xf32>
    %mul3A_315 = vector.broadcast %squeeze3A_301 : f32 to vector<16xf32>
    %mul3A_316 = arith.mulf %mul3A_315, %get3A_314 : vector<16xf32>
    %add3A_317 = arith.addf %add3A_299, %mul3A_316 : vector<16xf32>
    %slice3A_318 = vector.extract_strided_slice %max3A_131 {offsets = [10], sizes = [1], strides = [1]} : vector<16xf32> to vector<1xf32>
    %squeeze3A_319 = vector.extract %slice3A_318[0] : f32 from vector<1xf32>
    %get3A_320 = arith.constant 10 : i32
    %get3A_321 = arith.index_cast %get3A_320 : i32 to index
    %get3A_322 = arith.constant 0 : index
    %get3A_323 = tpu.vector_load %arg15[%get3A_321, %get3A_322] {strides = array<i32>} : memref<16x32xf32, #tpu.memory_space<vmem>>, vector<1x16xf32>,
    %get3A_324 = vector.shape_cast %get3A_323 : vector<1x16xf32> to vector<16xf32>
    %mul3A_325 = vector.broadcast %squeeze3A_319 : f32 to vector<16xf32>
    %mul3A_326 = arith.mulf %mul3A_325, %get3A_324 : vector<16xf32>
    %add3A_327 = arith.addf %add3A_309, %mul3A_326 : vector<16xf32>
    %get3A_328 = arith.constant 10 : i32
    %get3A_329 = arith.index_cast %get3A_328 : i32 to index
    %get3A_330 = arith.constant 16 : index
    %get3A_331 = tpu.vector_load %arg15[%get3A_329, %get3A_330] {strides = array<i32>} : memref<16x32xf32, #tpu.memory_space<vmem>>, vector<1x16xf32>,
    %get3A_332 = vector.shape_cast %get3A_331 : vector<1x16xf32> to vector<16xf32>
    %mul3A_333 = vector.broadcast %squeeze3A_319 : f32 to vector<16xf32>
    %mul3A_334 = arith.mulf %mul3A_333, %get3A_332 : vector<16xf32>
    %add3A_335 = arith.addf %add3A_317, %mul3A_334 : vector<16xf32>
    %slice3A_336 = vector.extract_strided_slice %max3A_131 {offsets = [11], sizes = [1], strides = [1]} : vector<16xf32> to vector<1xf32>
    %squeeze3A_337 = vector.extract %slice3A_336[0] : f32 from vector<1xf32>
    %get3A_338 = arith.constant 11 : i32
    %get3A_339 = arith.index_cast %get3A_338 : i32 to index
    %get3A_340 = arith.constant 0 : index
    %get3A_341 = tpu.vector_load %arg15[%get3A_339, %get3A_340] {strides = array<i32>} : memref<16x32xf32, #tpu.memory_space<vmem>>, vector<1x16xf32>,
    %get3A_342 = vector.shape_cast %get3A_341 : vector<1x16xf32> to vector<16xf32>
    %mul3A_343 = vector.broadcast %squeeze3A_337 : f32 to vector<16xf32>
    %mul3A_344 = arith.mulf %mul3A_343, %get3A_342 : vector<16xf32>
    %add3A_345 = arith.addf %add3A_327, %mul3A_344 : vector<16xf32>
    %get3A_346 = arith.constant 11 : i32
    %get3A_347 = arith.index_cast %get3A_346 : i32 to index
    %get3A_348 = arith.constant 16 : index
    %get3A_349 = tpu.vector_load %arg15[%get3A_347, %get3A_348] {strides = array<i32>} : memref<16x32xf32, #tpu.memory_space<vmem>>, vector<1x16xf32>,
    %get3A_350 = vector.shape_cast %get3A_349 : vector<1x16xf32> to vector<16xf32>
    %mul3A_351 = vector.broadcast %squeeze3A_337 : f32 to vector<16xf32>
    %mul3A_352 = arith.mulf %mul3A_351, %get3A_350 : vector<16xf32>
    %add3A_353 = arith.addf %add3A_335, %mul3A_352 : vector<16xf32>
    %slice3A_354 = vector.extract_strided_slice %max3A_131 {offsets = [12], sizes = [1], strides = [1]} : vector<16xf32> to vector<1xf32>
    %squeeze3A_355 = vector.extract %slice3A_354[0] : f32 from vector<1xf32>
    %get3A_356 = arith.constant 12 : i32
    %get3A_357 = arith.index_cast %get3A_356 : i32 to index
    %get3A_358 = arith.constant 0 : index
    %get3A_359 = tpu.vector_load %arg15[%get3A_357, %get3A_358] {strides = array<i32>} : memref<16x32xf32, #tpu.memory_space<vmem>>, vector<1x16xf32>,
    %get3A_360 = vector.shape_cast %get3A_359 : vector<1x16xf32> to vector<16xf32>
    %mul3A_361 = vector.broadcast %squeeze3A_355 : f32 to vector<16xf32>
    %mul3A_362 = arith.mulf %mul3A_361, %get3A_360 : vector<16xf32>
    %add3A_363 = arith.addf %add3A_345, %mul3A_362 : vector<16xf32>
    %get3A_364 = arith.constant 12 : i32
    %get3A_365 = arith.index_cast %get3A_364 : i32 to index
    %get3A_366 = arith.constant 16 : index
    %get3A_367 = tpu.vector_load %arg15[%get3A_365, %get3A_366] {strides = array<i32>} : memref<16x32xf32, #tpu.memory_space<vmem>>, vector<1x16xf32>,
    %get3A_368 = vector.shape_cast %get3A_367 : vector<1x16xf32> to vector<16xf32>
    %mul3A_369 = vector.broadcast %squeeze3A_355 : f32 to vector<16xf32>
    %mul3A_370 = arith.mulf %mul3A_369, %get3A_368 : vector<16xf32>
    %add3A_371 = arith.addf %add3A_353, %mul3A_370 : vector<16xf32>
    %slice3A_372 = vector.extract_strided_slice %max3A_131 {offsets = [13], sizes = [1], strides = [1]} : vector<16xf32> to vector<1xf32>
    %squeeze3A_373 = vector.extract %slice3A_372[0] : f32 from vector<1xf32>
    %get3A_374 = arith.constant 13 : i32
    %get3A_375 = arith.index_cast %get3A_374 : i32 to index
    %get3A_376 = arith.constant 0 : index
    %get3A_377 = tpu.vector_load %arg15[%get3A_375, %get3A_376] {strides = array<i32>} : memref<16x32xf32, #tpu.memory_space<vmem>>, vector<1x16xf32>,
    %get3A_378 = vector.shape_cast %get3A_377 : vector<1x16xf32> to vector<16xf32>
    %mul3A_379 = vector.broadcast %squeeze3A_373 : f32 to vector<16xf32>
    %mul3A_380 = arith.mulf %mul3A_379, %get3A_378 : vector<16xf32>
    %add3A_381 = arith.addf %add3A_363, %mul3A_380 : vector<16xf32>
    %get3A_382 = arith.constant 13 : i32
    %get3A_383 = arith.index_cast %get3A_382 : i32 to index
    %get3A_384 = arith.constant 16 : index
    %get3A_385 = tpu.vector_load %arg15[%get3A_383, %get3A_384] {strides = array<i32>} : memref<16x32xf32, #tpu.memory_space<vmem>>, vector<1x16xf32>,
    %get3A_386 = vector.shape_cast %get3A_385 : vector<1x16xf32> to vector<16xf32>
    %mul3A_387 = vector.broadcast %squeeze3A_373 : f32 to vector<16xf32>
    %mul3A_388 = arith.mulf %mul3A_387, %get3A_386 : vector<16xf32>
    %add3A_389 = arith.addf %add3A_371, %mul3A_388 : vector<16xf32>
    %slice3A_390 = vector.extract_strided_slice %max3A_131 {offsets = [14], sizes = [1], strides = [1]} : vector<16xf32> to vector<1xf32>
    %squeeze3A_391 = vector.extract %slice3A_390[0] : f32 from vector<1xf32>
    %get3A_392 = arith.constant 14 : i32
    %get3A_393 = arith.index_cast %get3A_392 : i32 to index
    %get3A_394 = arith.constant 0 : index
    %get3A_395 = tpu.vector_load %arg15[%get3A_393, %get3A_394] {strides = array<i32>} : memref<16x32xf32, #tpu.memory_space<vmem>>, vector<1x16xf32>,
    %get3A_396 = vector.shape_cast %get3A_395 : vector<1x16xf32> to vector<16xf32>
    %mul3A_397 = vector.broadcast %squeeze3A_391 : f32 to vector<16xf32>
    %mul3A_398 = arith.mulf %mul3A_397, %get3A_396 : vector<16xf32>
    %add3A_399 = arith.addf %add3A_381, %mul3A_398 : vector<16xf32>
    %get3A_400 = arith.constant 14 : i32
    %get3A_401 = arith.index_cast %get3A_400 : i32 to index
    %get3A_402 = arith.constant 16 : index
    %get3A_403 = tpu.vector_load %arg15[%get3A_401, %get3A_402] {strides = array<i32>} : memref<16x32xf32, #tpu.memory_space<vmem>>, vector<1x16xf32>,
    %get3A_404 = vector.shape_cast %get3A_403 : vector<1x16xf32> to vector<16xf32>
    %mul3A_405 = vector.broadcast %squeeze3A_391 : f32 to vector<16xf32>
    %mul3A_406 = arith.mulf %mul3A_405, %get3A_404 : vector<16xf32>
    %add3A_407 = arith.addf %add3A_389, %mul3A_406 : vector<16xf32>
    %slice3A_408 = vector.extract_strided_slice %max3A_131 {offsets = [15], sizes = [1], strides = [1]} : vector<16xf32> to vector<1xf32>
    %squeeze3A_409 = vector.extract %slice3A_408[0] : f32 from vector<1xf32>
    %get3A_410 = arith.constant 15 : i32
    %get3A_411 = arith.index_cast %get3A_410 : i32 to index
    %get3A_412 = arith.constant 0 : index
    %get3A_413 = tpu.vector_load %arg15[%get3A_411, %get3A_412] {strides = array<i32>} : memref<16x32xf32, #tpu.memory_space<vmem>>, vector<1x16xf32>,
    %get3A_414 = vector.shape_cast %get3A_413 : vector<1x16xf32> to vector<16xf32>
    %mul3A_415 = vector.broadcast %squeeze3A_409 : f32 to vector<16xf32>
    %mul3A_416 = arith.mulf %mul3A_415, %get3A_414 : vector<16xf32>
    %add3A_417 = arith.addf %add3A_399, %mul3A_416 : vector<16xf32>
    %get3A_418 = arith.constant 15 : i32
    %get3A_419 = arith.index_cast %get3A_418 : i32 to index
    %get3A_420 = arith.constant 16 : index
    %get3A_421 = tpu.vector_load %arg15[%get3A_419, %get3A_420] {strides = array<i32>} : memref<16x32xf32, #tpu.memory_space<vmem>>, vector<1x16xf32>,
    %get3A_422 = vector.shape_cast %get3A_421 : vector<1x16xf32> to vector<16xf32>
    %mul3A_423 = vector.broadcast %squeeze3A_409 : f32 to vector<16xf32>
    %mul3A_424 = arith.mulf %mul3A_423, %get3A_422 : vector<16xf32>
    %add3A_425 = arith.addf %add3A_407, %mul3A_424 : vector<16xf32>
    %max3A_426 = arith.constant 0.000000e+00 : f32
    %max3A_427 = vector.broadcast %max3A_426 : f32 to vector<16xf32>
    %max3A_428 = arith.maximumf %add3A_417, %max3A_427 : vector<16xf32>
    %max3A_429 = arith.constant 0.000000e+00 : f32
    %max3A_430 = vector.broadcast %max3A_429 : f32 to vector<16xf32>
    %max3A_431 = arith.maximumf %add3A_425, %max3A_430 : vector<16xf32>
    %dma_wait3A_432 = arith.constant 0 : i32
    %dma_wait3A_433 = tpu.memref_slice %arg17[%dma_wait3A_432] : memref<208xf32, #tpu.memory_space<vmem>> -> memref<192xf32, #tpu.memory_space<vmem>>
    %dma_wait3A_434 = arith.constant 0 : i32
    %dma_wait3A_435 = tpu.memref_slice %arg17[%dma_wait3A_434] : memref<208xf32, #tpu.memory_space<vmem>> -> memref<192xf32, #tpu.memory_space<vmem>>
    tpu.wait_dma2 semaphore(%arg20 : memref<!tpu.dma_semaphore, #tpu.memory_space<semaphore_mem>>) src(%arg8 : memref<192xf32, #tpu.memory_space<hbm>>) dst(%dma_wait3A_435 : memref<192xf32, #tpu.memory_space<vmem>>)
    %dma_wait3A_436 = arith.constant 0 : i32
    %dma_wait3A_437 = tpu.memref_slice %arg18[%dma_wait3A_436] : memref<16xf32, #tpu.memory_space<vmem>> -> memref<6xf32, #tpu.memory_space<vmem>>
    %dma_wait3A_438 = arith.constant 0 : i32
    %dma_wait3A_439 = tpu.memref_slice %arg18[%dma_wait3A_438] : memref<16xf32, #tpu.memory_space<vmem>> -> memref<6xf32, #tpu.memory_space<vmem>>
    tpu.wait_dma2 semaphore(%arg20 : memref<!tpu.dma_semaphore, #tpu.memory_space<semaphore_mem>>) src(%arg9 : memref<6xf32, #tpu.memory_space<hbm>>) dst(%dma_wait3A_439 : memref<6xf32, #tpu.memory_space<vmem>>)
    %get3A_440 = arith.constant 0 : index
    %get3A_441 = tpu.vector_load %arg18[%get3A_440] {strides = array<i32>} : memref<16xf32, #tpu.memory_space<vmem>>, vector<16xf32>,
    %get3A_442 = vector.shape_cast %get3A_441 : vector<16xf32> to vector<16xf32>
    %slice3A_443 = vector.extract_strided_slice %max3A_428 {offsets = [0], sizes = [1], strides = [1]} : vector<16xf32> to vector<1xf32>
    %squeeze3A_444 = vector.extract %slice3A_443[0] : f32 from vector<1xf32>
    %get3A_445 = arith.constant 0 : index
    %get3A_446 = tpu.vector_load %arg17[%get3A_445] {strides = array<i32>} : memref<208xf32, #tpu.memory_space<vmem>>, vector<16xf32>,
    %get3A_447 = vector.shape_cast %get3A_446 : vector<16xf32> to vector<16xf32>
    %mul3A_448 = vector.broadcast %squeeze3A_444 : f32 to vector<16xf32>
    %mul3A_449 = arith.mulf %mul3A_448, %get3A_447 : vector<16xf32>
    %add3A_450 = arith.addf %get3A_442, %mul3A_449 : vector<16xf32>
    %slice3A_451 = vector.extract_strided_slice %max3A_428 {offsets = [1], sizes = [1], strides = [1]} : vector<16xf32> to vector<1xf32>
    %squeeze3A_452 = vector.extract %slice3A_451[0] : f32 from vector<1xf32>
    %get3A_453 = arith.constant 6 : index
    %get3A_454 = tpu.vector_load %arg17[%get3A_453] {strides = array<i32>} : memref<208xf32, #tpu.memory_space<vmem>>, vector<16xf32>,
    %get3A_455 = vector.shape_cast %get3A_454 : vector<16xf32> to vector<16xf32>
    %mul3A_456 = vector.broadcast %squeeze3A_452 : f32 to vector<16xf32>
    %mul3A_457 = arith.mulf %mul3A_456, %get3A_455 : vector<16xf32>
    %add3A_458 = arith.addf %add3A_450, %mul3A_457 : vector<16xf32>
    %slice3A_459 = vector.extract_strided_slice %max3A_428 {offsets = [2], sizes = [1], strides = [1]} : vector<16xf32> to vector<1xf32>
    %squeeze3A_460 = vector.extract %slice3A_459[0] : f32 from vector<1xf32>
    %get3A_461 = arith.constant 12 : index
    %get3A_462 = tpu.vector_load %arg17[%get3A_461] {strides = array<i32>} : memref<208xf32, #tpu.memory_space<vmem>>, vector<16xf32>,
    %get3A_463 = vector.shape_cast %get3A_462 : vector<16xf32> to vector<16xf32>
    %mul3A_464 = vector.broadcast %squeeze3A_460 : f32 to vector<16xf32>
    %mul3A_465 = arith.mulf %mul3A_464, %get3A_463 : vector<16xf32>
    %add3A_466 = arith.addf %add3A_458, %mul3A_465 : vector<16xf32>
    %slice3A_467 = vector.extract_strided_slice %max3A_428 {offsets = [3], sizes = [1], strides = [1]} : vector<16xf32> to vector<1xf32>
    %squeeze3A_468 = vector.extract %slice3A_467[0] : f32 from vector<1xf32>
    %get3A_469 = arith.constant 18 : index
    %get3A_470 = tpu.vector_load %arg17[%get3A_469] {strides = array<i32>} : memref<208xf32, #tpu.memory_space<vmem>>, vector<16xf32>,
    %get3A_471 = vector.shape_cast %get3A_470 : vector<16xf32> to vector<16xf32>
    %mul3A_472 = vector.broadcast %squeeze3A_468 : f32 to vector<16xf32>
    %mul3A_473 = arith.mulf %mul3A_472, %get3A_471 : vector<16xf32>
    %add3A_474 = arith.addf %add3A_466, %mul3A_473 : vector<16xf32>
    %slice3A_475 = vector.extract_strided_slice %max3A_428 {offsets = [4], sizes = [1], strides = [1]} : vector<16xf32> to vector<1xf32>
    %squeeze3A_476 = vector.extract %slice3A_475[0] : f32 from vector<1xf32>
    %get3A_477 = arith.constant 24 : index
    %get3A_478 = tpu.vector_load %arg17[%get3A_477] {strides = array<i32>} : memref<208xf32, #tpu.memory_space<vmem>>, vector<16xf32>,
    %get3A_479 = vector.shape_cast %get3A_478 : vector<16xf32> to vector<16xf32>
    %mul3A_480 = vector.broadcast %squeeze3A_476 : f32 to vector<16xf32>
    %mul3A_481 = arith.mulf %mul3A_480, %get3A_479 : vector<16xf32>
    %add3A_482 = arith.addf %add3A_474, %mul3A_481 : vector<16xf32>
    %slice3A_483 = vector.extract_strided_slice %max3A_428 {offsets = [5], sizes = [1], strides = [1]} : vector<16xf32> to vector<1xf32>
    %squeeze3A_484 = vector.extract %slice3A_483[0] : f32 from vector<1xf32>
    %get3A_485 = arith.constant 30 : index
    %get3A_486 = tpu.vector_load %arg17[%get3A_485] {strides = array<i32>} : memref<208xf32, #tpu.memory_space<vmem>>, vector<16xf32>,
    %get3A_487 = vector.shape_cast %get3A_486 : vector<16xf32> to vector<16xf32>
    %mul3A_488 = vector.broadcast %squeeze3A_484 : f32 to vector<16xf32>
    %mul3A_489 = arith.mulf %mul3A_488, %get3A_487 : vector<16xf32>
    %add3A_490 = arith.addf %add3A_482, %mul3A_489 : vector<16xf32>
    %slice3A_491 = vector.extract_strided_slice %max3A_428 {offsets = [6], sizes = [1], strides = [1]} : vector<16xf32> to vector<1xf32>
    %squeeze3A_492 = vector.extract %slice3A_491[0] : f32 from vector<1xf32>
    %get3A_493 = arith.constant 36 : index
    %get3A_494 = tpu.vector_load %arg17[%get3A_493] {strides = array<i32>} : memref<208xf32, #tpu.memory_space<vmem>>, vector<16xf32>,
    %get3A_495 = vector.shape_cast %get3A_494 : vector<16xf32> to vector<16xf32>
    %mul3A_496 = vector.broadcast %squeeze3A_492 : f32 to vector<16xf32>
    %mul3A_497 = arith.mulf %mul3A_496, %get3A_495 : vector<16xf32>
    %add3A_498 = arith.addf %add3A_490, %mul3A_497 : vector<16xf32>
    %slice3A_499 = vector.extract_strided_slice %max3A_428 {offsets = [7], sizes = [1], strides = [1]} : vector<16xf32> to vector<1xf32>
    %squeeze3A_500 = vector.extract %slice3A_499[0] : f32 from vector<1xf32>
    %get3A_501 = arith.constant 42 : index
    %get3A_502 = tpu.vector_load %arg17[%get3A_501] {strides = array<i32>} : memref<208xf32, #tpu.memory_space<vmem>>, vector<16xf32>,
    %get3A_503 = vector.shape_cast %get3A_502 : vector<16xf32> to vector<16xf32>
    %mul3A_504 = vector.broadcast %squeeze3A_500 : f32 to vector<16xf32>
    %mul3A_505 = arith.mulf %mul3A_504, %get3A_503 : vector<16xf32>
    %add3A_506 = arith.addf %add3A_498, %mul3A_505 : vector<16xf32>
    %slice3A_507 = vector.extract_strided_slice %max3A_428 {offsets = [8], sizes = [1], strides = [1]} : vector<16xf32> to vector<1xf32>
    %squeeze3A_508 = vector.extract %slice3A_507[0] : f32 from vector<1xf32>
    %get3A_509 = arith.constant 48 : index
    %get3A_510 = tpu.vector_load %arg17[%get3A_509] {strides = array<i32>} : memref<208xf32, #tpu.memory_space<vmem>>, vector<16xf32>,
    %get3A_511 = vector.shape_cast %get3A_510 : vector<16xf32> to vector<16xf32>
    %mul3A_512 = vector.broadcast %squeeze3A_508 : f32 to vector<16xf32>
    %mul3A_513 = arith.mulf %mul3A_512, %get3A_511 : vector<16xf32>
    %add3A_514 = arith.addf %add3A_506, %mul3A_513 : vector<16xf32>
    %slice3A_515 = vector.extract_strided_slice %max3A_428 {offsets = [9], sizes = [1], strides = [1]} : vector<16xf32> to vector<1xf32>
    %squeeze3A_516 = vector.extract %slice3A_515[0] : f32 from vector<1xf32>
    %get3A_517 = arith.constant 54 : index
    %get3A_518 = tpu.vector_load %arg17[%get3A_517] {strides = array<i32>} : memref<208xf32, #tpu.memory_space<vmem>>, vector<16xf32>,
    %get3A_519 = vector.shape_cast %get3A_518 : vector<16xf32> to vector<16xf32>
    %mul3A_520 = vector.broadcast %squeeze3A_516 : f32 to vector<16xf32>
    %mul3A_521 = arith.mulf %mul3A_520, %get3A_519 : vector<16xf32>
    %add3A_522 = arith.addf %add3A_514, %mul3A_521 : vector<16xf32>
    %slice3A_523 = vector.extract_strided_slice %max3A_428 {offsets = [10], sizes = [1], strides = [1]} : vector<16xf32> to vector<1xf32>
    %squeeze3A_524 = vector.extract %slice3A_523[0] : f32 from vector<1xf32>
    %get3A_525 = arith.constant 60 : index
    %get3A_526 = tpu.vector_load %arg17[%get3A_525] {strides = array<i32>} : memref<208xf32, #tpu.memory_space<vmem>>, vector<16xf32>,
    %get3A_527 = vector.shape_cast %get3A_526 : vector<16xf32> to vector<16xf32>
    %mul3A_528 = vector.broadcast %squeeze3A_524 : f32 to vector<16xf32>
    %mul3A_529 = arith.mulf %mul3A_528, %get3A_527 : vector<16xf32>
    %add3A_530 = arith.addf %add3A_522, %mul3A_529 : vector<16xf32>
    %slice3A_531 = vector.extract_strided_slice %max3A_428 {offsets = [11], sizes = [1], strides = [1]} : vector<16xf32> to vector<1xf32>
    %squeeze3A_532 = vector.extract %slice3A_531[0] : f32 from vector<1xf32>
    %get3A_533 = arith.constant 66 : index
    %get3A_534 = tpu.vector_load %arg17[%get3A_533] {strides = array<i32>} : memref<208xf32, #tpu.memory_space<vmem>>, vector<16xf32>,
    %get3A_535 = vector.shape_cast %get3A_534 : vector<16xf32> to vector<16xf32>
    %mul3A_536 = vector.broadcast %squeeze3A_532 : f32 to vector<16xf32>
    %mul3A_537 = arith.mulf %mul3A_536, %get3A_535 : vector<16xf32>
    %add3A_538 = arith.addf %add3A_530, %mul3A_537 : vector<16xf32>
    %slice3A_539 = vector.extract_strided_slice %max3A_428 {offsets = [12], sizes = [1], strides = [1]} : vector<16xf32> to vector<1xf32>
    %squeeze3A_540 = vector.extract %slice3A_539[0] : f32 from vector<1xf32>
    %get3A_541 = arith.constant 72 : index
    %get3A_542 = tpu.vector_load %arg17[%get3A_541] {strides = array<i32>} : memref<208xf32, #tpu.memory_space<vmem>>, vector<16xf32>,
    %get3A_543 = vector.shape_cast %get3A_542 : vector<16xf32> to vector<16xf32>
    %mul3A_544 = vector.broadcast %squeeze3A_540 : f32 to vector<16xf32>
    %mul3A_545 = arith.mulf %mul3A_544, %get3A_543 : vector<16xf32>
    %add3A_546 = arith.addf %add3A_538, %mul3A_545 : vector<16xf32>
    %slice3A_547 = vector.extract_strided_slice %max3A_428 {offsets = [13], sizes = [1], strides = [1]} : vector<16xf32> to vector<1xf32>
    %squeeze3A_548 = vector.extract %slice3A_547[0] : f32 from vector<1xf32>
    %get3A_549 = arith.constant 78 : index
    %get3A_550 = tpu.vector_load %arg17[%get3A_549] {strides = array<i32>} : memref<208xf32, #tpu.memory_space<vmem>>, vector<16xf32>,
    %get3A_551 = vector.shape_cast %get3A_550 : vector<16xf32> to vector<16xf32>
    %mul3A_552 = vector.broadcast %squeeze3A_548 : f32 to vector<16xf32>
    %mul3A_553 = arith.mulf %mul3A_552, %get3A_551 : vector<16xf32>
    %add3A_554 = arith.addf %add3A_546, %mul3A_553 : vector<16xf32>
    %slice3A_555 = vector.extract_strided_slice %max3A_428 {offsets = [14], sizes = [1], strides = [1]} : vector<16xf32> to vector<1xf32>
    %squeeze3A_556 = vector.extract %slice3A_555[0] : f32 from vector<1xf32>
    %get3A_557 = arith.constant 84 : index
    %get3A_558 = tpu.vector_load %arg17[%get3A_557] {strides = array<i32>} : memref<208xf32, #tpu.memory_space<vmem>>, vector<16xf32>,
    %get3A_559 = vector.shape_cast %get3A_558 : vector<16xf32> to vector<16xf32>
    %mul3A_560 = vector.broadcast %squeeze3A_556 : f32 to vector<16xf32>
    %mul3A_561 = arith.mulf %mul3A_560, %get3A_559 : vector<16xf32>
    %add3A_562 = arith.addf %add3A_554, %mul3A_561 : vector<16xf32>
    %slice3A_563 = vector.extract_strided_slice %max3A_428 {offsets = [15], sizes = [1], strides = [1]} : vector<16xf32> to vector<1xf32>
    %squeeze3A_564 = vector.extract %slice3A_563[0] : f32 from vector<1xf32>
    %get3A_565 = arith.constant 90 : index
    %get3A_566 = tpu.vector_load %arg17[%get3A_565] {strides = array<i32>} : memref<208xf32, #tpu.memory_space<vmem>>, vector<16xf32>,
    %get3A_567 = vector.shape_cast %get3A_566 : vector<16xf32> to vector<16xf32>
    %mul3A_568 = vector.broadcast %squeeze3A_564 : f32 to vector<16xf32>
    %mul3A_569 = arith.mulf %mul3A_568, %get3A_567 : vector<16xf32>
    %add3A_570 = arith.addf %add3A_562, %mul3A_569 : vector<16xf32>
    %slice3A_571 = vector.extract_strided_slice %max3A_431 {offsets = [0], sizes = [1], strides = [1]} : vector<16xf32> to vector<1xf32>
    %squeeze3A_572 = vector.extract %slice3A_571[0] : f32 from vector<1xf32>
    %get3A_573 = arith.constant 96 : index
    %get3A_574 = tpu.vector_load %arg17[%get3A_573] {strides = array<i32>} : memref<208xf32, #tpu.memory_space<vmem>>, vector<16xf32>,
    %get3A_575 = vector.shape_cast %get3A_574 : vector<16xf32> to vector<16xf32>
    %mul3A_576 = vector.broadcast %squeeze3A_572 : f32 to vector<16xf32>
    %mul3A_577 = arith.mulf %mul3A_576, %get3A_575 : vector<16xf32>
    %add3A_578 = arith.addf %add3A_570, %mul3A_577 : vector<16xf32>
    %slice3A_579 = vector.extract_strided_slice %max3A_431 {offsets = [1], sizes = [1], strides = [1]} : vector<16xf32> to vector<1xf32>
    %squeeze3A_580 = vector.extract %slice3A_579[0] : f32 from vector<1xf32>
    %get3A_581 = arith.constant 102 : index
    %get3A_582 = tpu.vector_load %arg17[%get3A_581] {strides = array<i32>} : memref<208xf32, #tpu.memory_space<vmem>>, vector<16xf32>,
    %get3A_583 = vector.shape_cast %get3A_582 : vector<16xf32> to vector<16xf32>
    %mul3A_584 = vector.broadcast %squeeze3A_580 : f32 to vector<16xf32>
    %mul3A_585 = arith.mulf %mul3A_584, %get3A_583 : vector<16xf32>
    %add3A_586 = arith.addf %add3A_578, %mul3A_585 : vector<16xf32>
    %slice3A_587 = vector.extract_strided_slice %max3A_431 {offsets = [2], sizes = [1], strides = [1]} : vector<16xf32> to vector<1xf32>
    %squeeze3A_588 = vector.extract %slice3A_587[0] : f32 from vector<1xf32>
    %get3A_589 = arith.constant 108 : index
    %get3A_590 = tpu.vector_load %arg17[%get3A_589] {strides = array<i32>} : memref<208xf32, #tpu.memory_space<vmem>>, vector<16xf32>,
    %get3A_591 = vector.shape_cast %get3A_590 : vector<16xf32> to vector<16xf32>
    %mul3A_592 = vector.broadcast %squeeze3A_588 : f32 to vector<16xf32>
    %mul3A_593 = arith.mulf %mul3A_592, %get3A_591 : vector<16xf32>
    %add3A_594 = arith.addf %add3A_586, %mul3A_593 : vector<16xf32>
    %slice3A_595 = vector.extract_strided_slice %max3A_431 {offsets = [3], sizes = [1], strides = [1]} : vector<16xf32> to vector<1xf32>
    %squeeze3A_596 = vector.extract %slice3A_595[0] : f32 from vector<1xf32>
    %get3A_597 = arith.constant 114 : index
    %get3A_598 = tpu.vector_load %arg17[%get3A_597] {strides = array<i32>} : memref<208xf32, #tpu.memory_space<vmem>>, vector<16xf32>,
    %get3A_599 = vector.shape_cast %get3A_598 : vector<16xf32> to vector<16xf32>
    %mul3A_600 = vector.broadcast %squeeze3A_596 : f32 to vector<16xf32>
    %mul3A_601 = arith.mulf %mul3A_600, %get3A_599 : vector<16xf32>
    %add3A_602 = arith.addf %add3A_594, %mul3A_601 : vector<16xf32>
    %slice3A_603 = vector.extract_strided_slice %max3A_431 {offsets = [4], sizes = [1], strides = [1]} : vector<16xf32> to vector<1xf32>
    %squeeze3A_604 = vector.extract %slice3A_603[0] : f32 from vector<1xf32>
    %get3A_605 = arith.constant 120 : index
    %get3A_606 = tpu.vector_load %arg17[%get3A_605] {strides = array<i32>} : memref<208xf32, #tpu.memory_space<vmem>>, vector<16xf32>,
    %get3A_607 = vector.shape_cast %get3A_606 : vector<16xf32> to vector<16xf32>
    %mul3A_608 = vector.broadcast %squeeze3A_604 : f32 to vector<16xf32>
    %mul3A_609 = arith.mulf %mul3A_608, %get3A_607 : vector<16xf32>
    %add3A_610 = arith.addf %add3A_602, %mul3A_609 : vector<16xf32>
    %slice3A_611 = vector.extract_strided_slice %max3A_431 {offsets = [5], sizes = [1], strides = [1]} : vector<16xf32> to vector<1xf32>
    %squeeze3A_612 = vector.extract %slice3A_611[0] : f32 from vector<1xf32>
    %get3A_613 = arith.constant 126 : index
    %get3A_614 = tpu.vector_load %arg17[%get3A_613] {strides = array<i32>} : memref<208xf32, #tpu.memory_space<vmem>>, vector<16xf32>,
    %get3A_615 = vector.shape_cast %get3A_614 : vector<16xf32> to vector<16xf32>
    %mul3A_616 = vector.broadcast %squeeze3A_612 : f32 to vector<16xf32>
    %mul3A_617 = arith.mulf %mul3A_616, %get3A_615 : vector<16xf32>
    %add3A_618 = arith.addf %add3A_610, %mul3A_617 : vector<16xf32>
    %slice3A_619 = vector.extract_strided_slice %max3A_431 {offsets = [6], sizes = [1], strides = [1]} : vector<16xf32> to vector<1xf32>
    %squeeze3A_620 = vector.extract %slice3A_619[0] : f32 from vector<1xf32>
    %get3A_621 = arith.constant 132 : index
    %get3A_622 = tpu.vector_load %arg17[%get3A_621] {strides = array<i32>} : memref<208xf32, #tpu.memory_space<vmem>>, vector<16xf32>,
    %get3A_623 = vector.shape_cast %get3A_622 : vector<16xf32> to vector<16xf32>
    %mul3A_624 = vector.broadcast %squeeze3A_620 : f32 to vector<16xf32>
    %mul3A_625 = arith.mulf %mul3A_624, %get3A_623 : vector<16xf32>
    %add3A_626 = arith.addf %add3A_618, %mul3A_625 : vector<16xf32>
    %slice3A_627 = vector.extract_strided_slice %max3A_431 {offsets = [7], sizes = [1], strides = [1]} : vector<16xf32> to vector<1xf32>
    %squeeze3A_628 = vector.extract %slice3A_627[0] : f32 from vector<1xf32>
    %get3A_629 = arith.constant 138 : index
    %get3A_630 = tpu.vector_load %arg17[%get3A_629] {strides = array<i32>} : memref<208xf32, #tpu.memory_space<vmem>>, vector<16xf32>,
    %get3A_631 = vector.shape_cast %get3A_630 : vector<16xf32> to vector<16xf32>
    %mul3A_632 = vector.broadcast %squeeze3A_628 : f32 to vector<16xf32>
    %mul3A_633 = arith.mulf %mul3A_632, %get3A_631 : vector<16xf32>
    %add3A_634 = arith.addf %add3A_626, %mul3A_633 : vector<16xf32>
    %slice3A_635 = vector.extract_strided_slice %max3A_431 {offsets = [8], sizes = [1], strides = [1]} : vector<16xf32> to vector<1xf32>
    %squeeze3A_636 = vector.extract %slice3A_635[0] : f32 from vector<1xf32>
    %get3A_637 = arith.constant 144 : index
    %get3A_638 = tpu.vector_load %arg17[%get3A_637] {strides = array<i32>} : memref<208xf32, #tpu.memory_space<vmem>>, vector<16xf32>,
    %get3A_639 = vector.shape_cast %get3A_638 : vector<16xf32> to vector<16xf32>
    %mul3A_640 = vector.broadcast %squeeze3A_636 : f32 to vector<16xf32>
    %mul3A_641 = arith.mulf %mul3A_640, %get3A_639 : vector<16xf32>
    %add3A_642 = arith.addf %add3A_634, %mul3A_641 : vector<16xf32>
    %slice3A_643 = vector.extract_strided_slice %max3A_431 {offsets = [9], sizes = [1], strides = [1]} : vector<16xf32> to vector<1xf32>
    %squeeze3A_644 = vector.extract %slice3A_643[0] : f32 from vector<1xf32>
    %get3A_645 = arith.constant 150 : index
    %get3A_646 = tpu.vector_load %arg17[%get3A_645] {strides = array<i32>} : memref<208xf32, #tpu.memory_space<vmem>>, vector<16xf32>,
    %get3A_647 = vector.shape_cast %get3A_646 : vector<16xf32> to vector<16xf32>
    %mul3A_648 = vector.broadcast %squeeze3A_644 : f32 to vector<16xf32>
    %mul3A_649 = arith.mulf %mul3A_648, %get3A_647 : vector<16xf32>
    %add3A_650 = arith.addf %add3A_642, %mul3A_649 : vector<16xf32>
    %slice3A_651 = vector.extract_strided_slice %max3A_431 {offsets = [10], sizes = [1], strides = [1]} : vector<16xf32> to vector<1xf32>
    %squeeze3A_652 = vector.extract %slice3A_651[0] : f32 from vector<1xf32>
    %get3A_653 = arith.constant 156 : index
    %get3A_654 = tpu.vector_load %arg17[%get3A_653] {strides = array<i32>} : memref<208xf32, #tpu.memory_space<vmem>>, vector<16xf32>,
    %get3A_655 = vector.shape_cast %get3A_654 : vector<16xf32> to vector<16xf32>
    %mul3A_656 = vector.broadcast %squeeze3A_652 : f32 to vector<16xf32>
    %mul3A_657 = arith.mulf %mul3A_656, %get3A_655 : vector<16xf32>
    %add3A_658 = arith.addf %add3A_650, %mul3A_657 : vector<16xf32>
    %slice3A_659 = vector.extract_strided_slice %max3A_431 {offsets = [11], sizes = [1], strides = [1]} : vector<16xf32> to vector<1xf32>
    %squeeze3A_660 = vector.extract %slice3A_659[0] : f32 from vector<1xf32>
    %get3A_661 = arith.constant 162 : index
    %get3A_662 = tpu.vector_load %arg17[%get3A_661] {strides = array<i32>} : memref<208xf32, #tpu.memory_space<vmem>>, vector<16xf32>,
    %get3A_663 = vector.shape_cast %get3A_662 : vector<16xf32> to vector<16xf32>
    %mul3A_664 = vector.broadcast %squeeze3A_660 : f32 to vector<16xf32>
    %mul3A_665 = arith.mulf %mul3A_664, %get3A_663 : vector<16xf32>
    %add3A_666 = arith.addf %add3A_658, %mul3A_665 : vector<16xf32>
    %slice3A_667 = vector.extract_strided_slice %max3A_431 {offsets = [12], sizes = [1], strides = [1]} : vector<16xf32> to vector<1xf32>
    %squeeze3A_668 = vector.extract %slice3A_667[0] : f32 from vector<1xf32>
    %get3A_669 = arith.constant 168 : index
    %get3A_670 = tpu.vector_load %arg17[%get3A_669] {strides = array<i32>} : memref<208xf32, #tpu.memory_space<vmem>>, vector<16xf32>,
    %get3A_671 = vector.shape_cast %get3A_670 : vector<16xf32> to vector<16xf32>
    %mul3A_672 = vector.broadcast %squeeze3A_668 : f32 to vector<16xf32>
    %mul3A_673 = arith.mulf %mul3A_672, %get3A_671 : vector<16xf32>
    %add3A_674 = arith.addf %add3A_666, %mul3A_673 : vector<16xf32>
    %slice3A_675 = vector.extract_strided_slice %max3A_431 {offsets = [13], sizes = [1], strides = [1]} : vector<16xf32> to vector<1xf32>
    %squeeze3A_676 = vector.extract %slice3A_675[0] : f32 from vector<1xf32>
    %get3A_677 = arith.constant 174 : index
    %get3A_678 = tpu.vector_load %arg17[%get3A_677] {strides = array<i32>} : memref<208xf32, #tpu.memory_space<vmem>>, vector<16xf32>,
    %get3A_679 = vector.shape_cast %get3A_678 : vector<16xf32> to vector<16xf32>
    %mul3A_680 = vector.broadcast %squeeze3A_676 : f32 to vector<16xf32>
    %mul3A_681 = arith.mulf %mul3A_680, %get3A_679 : vector<16xf32>
    %add3A_682 = arith.addf %add3A_674, %mul3A_681 : vector<16xf32>
    %slice3A_683 = vector.extract_strided_slice %max3A_431 {offsets = [14], sizes = [1], strides = [1]} : vector<16xf32> to vector<1xf32>
    %squeeze3A_684 = vector.extract %slice3A_683[0] : f32 from vector<1xf32>
    %get3A_685 = arith.constant 180 : index
    %get3A_686 = tpu.vector_load %arg17[%get3A_685] {strides = array<i32>} : memref<208xf32, #tpu.memory_space<vmem>>, vector<16xf32>,
    %get3A_687 = vector.shape_cast %get3A_686 : vector<16xf32> to vector<16xf32>
    %mul3A_688 = vector.broadcast %squeeze3A_684 : f32 to vector<16xf32>
    %mul3A_689 = arith.mulf %mul3A_688, %get3A_687 : vector<16xf32>
    %add3A_690 = arith.addf %add3A_682, %mul3A_689 : vector<16xf32>
    %slice3A_691 = vector.extract_strided_slice %max3A_431 {offsets = [15], sizes = [1], strides = [1]} : vector<16xf32> to vector<1xf32>
    %squeeze3A_692 = vector.extract %slice3A_691[0] : f32 from vector<1xf32>
    %get3A_693 = arith.constant 186 : index
    %get3A_694 = tpu.vector_load %arg17[%get3A_693] {strides = array<i32>} : memref<208xf32, #tpu.memory_space<vmem>>, vector<16xf32>,
    %get3A_695 = vector.shape_cast %get3A_694 : vector<16xf32> to vector<16xf32>
    %mul3A_696 = vector.broadcast %squeeze3A_692 : f32 to vector<16xf32>
    %mul3A_697 = arith.mulf %mul3A_696, %get3A_695 : vector<16xf32>
    %add3A_698 = arith.addf %add3A_690, %mul3A_697 : vector<16xf32>
    %lt3A = arith.constant 6 : i32
    %lt3A_699 = vector.broadcast %lt3A : i32 to vector<16xi32>
    %lt3A_700 = arith.cmpi slt, %iota3A, %lt3A_699 : vector<16xi32>
    %jit3A = arith.constant -1.000000e+30 : f32
    %broadcast_in_dim3A = vector.broadcast %jit3A : f32 to vector<16xf32>
    %select_n3A = arith.select %lt3A_700, %add3A_698, %broadcast_in_dim3A : vector<16xi1>, vector<16xf32>
    %slice3A_701 = vector.extract_strided_slice %select_n3A {offsets = [0], sizes = [1], strides = [1]} : vector<16xf32> to vector<1xf32>
    %squeeze3A_702 = vector.extract %slice3A_701[0] : f32 from vector<1xf32>
    %slice3A_703 = vector.extract_strided_slice %select_n3A {offsets = [1], sizes = [1], strides = [1]} : vector<16xf32> to vector<1xf32>
    %squeeze3A_704 = vector.extract %slice3A_703[0] : f32 from vector<1xf32>
    %max3A_705 = arith.maximumf %squeeze3A_702, %squeeze3A_704 : f32
    %slice3A_706 = vector.extract_strided_slice %select_n3A {offsets = [2], sizes = [1], strides = [1]} : vector<16xf32> to vector<1xf32>
    %squeeze3A_707 = vector.extract %slice3A_706[0] : f32 from vector<1xf32>
    %max3A_708 = arith.maximumf %max3A_705, %squeeze3A_707 : f32
    %slice3A_709 = vector.extract_strided_slice %select_n3A {offsets = [3], sizes = [1], strides = [1]} : vector<16xf32> to vector<1xf32>
    %squeeze3A_710 = vector.extract %slice3A_709[0] : f32 from vector<1xf32>
    %max3A_711 = arith.maximumf %max3A_708, %squeeze3A_710 : f32
    %slice3A_712 = vector.extract_strided_slice %select_n3A {offsets = [4], sizes = [1], strides = [1]} : vector<16xf32> to vector<1xf32>
    %squeeze3A_713 = vector.extract %slice3A_712[0] : f32 from vector<1xf32>
    %max3A_714 = arith.maximumf %max3A_711, %squeeze3A_713 : f32
    %slice3A_715 = vector.extract_strided_slice %select_n3A {offsets = [5], sizes = [1], strides = [1]} : vector<16xf32> to vector<1xf32>
    %squeeze3A_716 = vector.extract %slice3A_715[0] : f32 from vector<1xf32>
    %max3A_717 = arith.maximumf %max3A_714, %squeeze3A_716 : f32
    %sub3A = vector.broadcast %max3A_717 : f32 to vector<16xf32>
    %sub3A_718 = arith.subf %select_n3A, %sub3A : vector<16xf32>
    %exp3A = math.exp %sub3A_718 : vector<16xf32>
    %slice3A_719 = vector.extract_strided_slice %exp3A {offsets = [0], sizes = [1], strides = [1]} : vector<16xf32> to vector<1xf32>
    %squeeze3A_720 = vector.extract %slice3A_719[0] : f32 from vector<1xf32>
    %slice3A_721 = vector.extract_strided_slice %exp3A {offsets = [1], sizes = [1], strides = [1]} : vector<16xf32> to vector<1xf32>
    %squeeze3A_722 = vector.extract %slice3A_721[0] : f32 from vector<1xf32>
    %add3A_723 = arith.addf %squeeze3A_720, %squeeze3A_722 : f32
    %slice3A_724 = vector.extract_strided_slice %exp3A {offsets = [2], sizes = [1], strides = [1]} : vector<16xf32> to vector<1xf32>
    %squeeze3A_725 = vector.extract %slice3A_724[0] : f32 from vector<1xf32>
    %add3A_726 = arith.addf %add3A_723, %squeeze3A_725 : f32
    %slice3A_727 = vector.extract_strided_slice %exp3A {offsets = [3], sizes = [1], strides = [1]} : vector<16xf32> to vector<1xf32>
    %squeeze3A_728 = vector.extract %slice3A_727[0] : f32 from vector<1xf32>
    %add3A_729 = arith.addf %add3A_726, %squeeze3A_728 : f32
    %slice3A_730 = vector.extract_strided_slice %exp3A {offsets = [4], sizes = [1], strides = [1]} : vector<16xf32> to vector<1xf32>
    %squeeze3A_731 = vector.extract %slice3A_730[0] : f32 from vector<1xf32>
    %add3A_732 = arith.addf %add3A_729, %squeeze3A_731 : f32
    %slice3A_733 = vector.extract_strided_slice %exp3A {offsets = [5], sizes = [1], strides = [1]} : vector<16xf32> to vector<1xf32>
    %squeeze3A_734 = vector.extract %slice3A_733[0] : f32 from vector<1xf32>
    %add3A_735 = arith.addf %add3A_732, %squeeze3A_734 : f32
    %div3A = vector.broadcast %add3A_735 : f32 to vector<16xf32>
    %div3A_736 = arith.divf %exp3A, %div3A : vector<16xf32>
    %swap3A = arith.constant 0 : index
    %swap3A_737 = tpu.vector_load %arg19[%swap3A] {strides = array<i32>} : memref<16xf32, #tpu.memory_space<vmem>>, vector<16xf32>,
    %swap3A_738 = vector.shape_cast %swap3A_737 : vector<16xf32> to vector<16xf32>
    %swap3A_739 = vector.shape_cast %div3A_736 : vector<16xf32> to vector<16xf32>
    tpu.vector_store %arg19[%swap3A], %swap3A_739 {strides = array<i32>} : memref<16xf32, #tpu.memory_space<vmem>>, vector<16xf32>,
    %dma_start3A_740 = arith.constant 0 : i32
    %dma_start3A_741 = tpu.memref_slice %arg19[%dma_start3A_740] : memref<16xf32, #tpu.memory_space<vmem>> -> memref<6xf32, #tpu.memory_space<vmem>>
    %dma_start3A_742 = arith.constant 0 : i32
    %dma_start3A_743 = tpu.memref_slice %arg19[%dma_start3A_742] : memref<16xf32, #tpu.memory_space<vmem>> -> memref<6xf32, #tpu.memory_space<vmem>>
    tpu.enqueue_dma source(%dma_start3A_743 : memref<6xf32, #tpu.memory_space<vmem>>) target(%arg10 : memref<6xf32, #tpu.memory_space<hbm>>) target_semaphore(%arg20 : memref<!tpu.dma_semaphore, #tpu.memory_space<semaphore_mem>>)
    %dma_wait3A_744 = arith.constant 0 : i32
    %dma_wait3A_745 = tpu.memref_slice %arg19[%dma_wait3A_744] : memref<16xf32, #tpu.memory_space<vmem>> -> memref<6xf32, #tpu.memory_space<vmem>>
    %dma_wait3A_746 = arith.constant 0 : i32
    %dma_wait3A_747 = tpu.memref_slice %arg19[%dma_wait3A_746] : memref<16xf32, #tpu.memory_space<vmem>> -> memref<6xf32, #tpu.memory_space<vmem>>
    tpu.wait_dma2 semaphore(%arg20 : memref<!tpu.dma_semaphore, #tpu.memory_space<semaphore_mem>>) src(%dma_wait3A_747 : memref<6xf32, #tpu.memory_space<vmem>>) dst(%arg10 : memref<6xf32, #tpu.memory_space<hbm>>)
    return
  }
}

</mosaic_0001>

<sc_bundles>
// kernel: _policy_sc.3.cloned.1.call-start
scs
__scs_entry_jumppad:
0x0: {  	(pc) =	sbr.rel $0x88, $3  }
0x1: {  	(tag) =	ssettag $0x0;
	lr =	simm.s32 $0x1  }
0x2: {  	[smem:$0x3F99] =	sst lr;
	_ =	strace $0xD0000000  }
0x3: {  	_ = 	snop  }
0x4: {  	_ = 	snop  }
0x5: {  	_ = 	snop  }
0x6: {  	_ = 	snop  }
0x7: {  	_ = 	snop  }
__scs_overlays_trampoline_lowered:
0x8: {  	[smem:$0x3FA8] =	sst s0  }
0x9: {  	[smem:$0x3FA9] =	sst s1  }
0xa: {  	[smem:$0x3FAA] =	sst s2  }
0xb: {  	[smem:$0x3FAB] =	sst s3  }
0xc: {  	[smem:$0x3FAC] =	sst s4  }
0xd: {  	[smem:$0x3FAD] =	sst s5  }
0xe: {  	[smem:$0x3FAE] =	sst s6  }
0xf: {  	[smem:$0x3FAF] =	sst s7  }
0x10: {  	[smem:$0x3FB0] =	sst s8  }
0x11: {  	[smem:$0x3FB1] =	sst s9;
	s0 =	simm.s32 @!p0 $0x0  }
0x12: {  	s1 =	sld [smem:$0x3F97];
	s0 =	simm.s32 @p0 $0x1  }
0x13: {  	[smem:$0x3FB2] =	sst s0;
	s0 =	simm.s32 @!p1 $0x0  }
0x14: {  	s2 =	sld [smem:$0x3F96];
	s0 =	simm.s32 @p1 $0x1  }
0x15: {  	[smem:$0x3FB3] =	sst s0;
	s0 =	simm.s32 @!p2 $0x0  }
0x16: {  	s3 =	sld [smem:$0x3FDB];
	s0 =	simm.s32 @p2 $0x1  }
0x17: {  	s4 =	simm.s32 $0x1BF5;
	[smem:$0x3FB5] =	sst s0  }
0x18: {  	s0 =	sld [smem:$0x3F98];
	_ =	swait.ge [sflag:s4], $0x0  }
0x19: {  	s7 =	sld [smem:$0x3F99]  }
0x1a: {  	s8 =	sadd.s32 $0xFFFFE003, lr  }
0x1b: {  	s9 =	sadd.s32 $0xFFFFFEF7, lr;
	s5 =	simm.s32 $0xFFFFFFFF;
	p2 =	slt.u32 s8, $0xFFFFF086  }
0x1c: {  	p1 =	slt.u32 s9, $0xF7A;
	s5 =	simm.s32 @!p2 $0x0  }
0x1d: {  	s5 =	simm.s32 @p1 $0x1;
	p0 =	seq.s32 s7, s2  }
0x1e: {  	s7 =	smul.u32 @!p0 $0xF7A, s2;
	p2 =	seq.s32 @!p0 s5, $0x0  }
0x1f: {  	s9 =	smul.u32 $0xF7A, s1;
	s8 =	simm.s32 @!p0 $0x1BF5;
	p2 =	por !p2, p0  }
0x20: {  	[sflag:s8] =	ssyncset.s32 @!p0 $0xFFFFF086;
	s6 =	sadd.s32 @!p0 s3, s7;
	s7 =	simm.s32 @!p0 $0x108  }
0x21: {  	s3 =	sadd.s32 s3, s9;
	s6 =	sadd.s32 @!p0 $0x88, s6;
	s7 =	simm.s32 @p2 $0x1082  }
0x22: {  	[simem:s7], [sflag:s8] =	dma.local @!p0 [hbm:s6], $0xF7A  }
0x23: {  	s9 =	sor.u32 $0xD0000000, s2;
	s6 =	simm.s32 $0x108;
	_ =	swait.ge @!p0 [sflag:s8], $0x0  }
0x24: {  	s3 =	sadd.s32 $0x88, s3;
	s6 =	simm.s32 @!p1 $0x1082;
	[sflag:s4] =	ssyncset.s32 $0xFFFFF086  }
0x25: {  	[simem:s6], [sflag:s4] =	dma.local [hbm:s3], $0xF7A  }
0x26: {  	[smem:$0x3F99] =	sst s1;
	(tag) =	ssettag s2;
	_ =	strace s9  }
0x27: {  	s1 =	sld [smem:$0x3FA9]  }
0x28: {  	s2 =	sld [smem:$0x3FAA]  }
0x29: {  	s4 =	sld [smem:$0x3FAC]  }
0x2a: {  	p0 =	seq.s32 s5, $0x0;
	s5 =	sld [smem:$0x3FAD]  }
0x2b: {  	s6 =	sld [smem:$0x3FAE]  }
0x2c: {  	s7 =	sld [smem:$0x3FAF]  }
0x2d: {  	s3 =	simm.s32 $0x108;
	s8 =	sld [smem:$0x3FB0]  }
0x2e: {  	s3 =	simm.s32 @!p0 $0x1082;
	s9 =	sld [smem:$0x3FB1]  }
0x2f: {  	lr =	sadd.s32 s0, s3;
	s0 =	sld [smem:$0x3FA8]  }
0x30: {  	s3 =	sld [smem:$0x3FAB]  }
0x31: {  	[smem:$0x3FB4] =	sst s10  }
0x32: {  	s10 =	sld [smem:$0x3FB2];
	_ =	sdelay $0x3  }
0x33: {  	p0 =	seq.s32 s10, $0x1;
	s10 =	sld [smem:$0x3FB4];
	_ =	sdelay $0x3  }
0x34: {  	[smem:$0x3FB4] =	sst s10  }
0x35: {  	s10 =	sld [smem:$0x3FB3];
	_ =	sdelay $0x3  }
0x36: {  	p1 =	seq.s32 s10, $0x1;
	s10 =	sld [smem:$0x3FB4];
	_ =	sdelay $0x3  }
0x37: {  	[smem:$0x3FB4] =	sst s10  }
0x38: {  	s10 =	sld [smem:$0x3FB5]  }
0x39: {  	_ = 	snop;
	(pc) =	sbr.ind lr, $3  }
0x3a: {  	_ = 	snop  }
0x3b: {  	_ = 	snop  }
0x3c: {  	p2 =	seq.s32 s10, $0x1;
	s10 =	sld [smem:$0x3FB4]  }
0x3d: {  	_ =	shalt  }
0x3e: {  	_ =	shalt  }
0x3f: {  	_ =	shalt  }
0x40: {  	_ =	shalt  }
0x41: {  	_ =	shalt  }
0x42: {  	_ =	shalt  }
0x43: {  	_ =	shalt  }
0x44: {  	_ =	shalt  }
0x45: {  	_ =	shalt  }
0x46: {  	_ =	shalt  }
0x47: {  	_ =	shalt  }
0x48: {  	_ =	shalt  }
0x49: {  	_ =	shalt  }
0x4a: {  	_ =	shalt  }
0x4b: {  	_ =	shalt  }
0x4c: {  	_ =	shalt  }
0x4d: {  	_ =	shalt  }
0x4e: {  	_ =	shalt  }
0x4f: {  	_ =	shalt  }
0x50: {  	_ =	shalt  }
0x51: {  	_ =	shalt  }
0x52: {  	_ =	shalt  }
0x53: {  	_ =	shalt  }
0x54: {  	_ =	shalt  }
0x55: {  	_ =	shalt  }
0x56: {  	_ =	shalt  }
0x57: {  	_ =	shalt  }
0x58: {  	_ =	shalt  }
0x59: {  	_ =	shalt  }
0x5a: {  	_ =	shalt  }
0x5b: {  	_ =	shalt  }
0x5c: {  	_ =	shalt  }
0x5d: {  	_ =	shalt  }
0x5e: {  	_ =	shalt  }
0x5f: {  	_ =	shalt  }
0x60: {  	_ =	shalt  }
0x61: {  	_ =	shalt  }
0x62: {  	_ =	shalt  }
0x63: {  	_ =	shalt  }
0x64: {  	_ =	shalt  }
0x65: {  	_ =	shalt  }
0x66: {  	_ =	shalt  }
0x67: {  	_ =	shalt  }
0x68: {  	_ =	shalt  }
0x69: {  	_ =	shalt  }
0x6a: {  	_ =	shalt  }
0x6b: {  	_ =	shalt  }
0x6c: {  	_ =	shalt  }
0x6d: {  	_ =	shalt  }
0x6e: {  	_ =	shalt  }
0x6f: {  	_ =	shalt  }
0x70: {  	_ =	shalt  }
0x71: {  	_ =	shalt  }
0x72: {  	_ =	shalt  }
0x73: {  	_ =	shalt  }
0x74: {  	_ =	shalt  }
0x75: {  	_ =	shalt  }
0x76: {  	_ =	shalt  }
0x77: {  	_ =	shalt  }
0x78: {  	_ =	shalt  }
0x79: {  	_ =	shalt  }
0x7a: {  	_ =	shalt  }
0x7b: {  	_ =	shalt  }
0x7c: {  	_ =	shalt  }
0x7d: {  	_ =	shalt  }
0x7e: {  	_ =	shalt  }
0x7f: {  	_ =	shalt  }
0x80: {  	_ =	shalt  }
0x81: {  	_ =	shalt  }
0x82: {  	_ =	shalt  }
0x83: {  	_ =	shalt  }
0x84: {  	_ =	shalt  }
0x85: {  	_ =	shalt  }
0x86: {  	_ =	shalt  }
0x87: {  	_ =	shalt  }
.Lfunc_end0:
.L_simem_size_0:
called_computation_lowered:
.L_overlay_start_0:
0x88: {  	s0 =	sld [smem:$0x3FD9]  }
0x89: {  	s1 =	sld [smem:$0x3FFE];
	_ =	sdelay $0x3  }
0x8a: {  	s0 =	sadd.s32 s1, s0  }
0x8b: {  	[smem:$0x3FC0] =	sst s0  }
0x8c: {  	_ = 	snop  }
0x8d: {  	s0 =	sld [smem:$0x3FC9]  }
0x8e: {  	s16 =	sld [smem:$0x3FC7]  }
0x8f: {  	s2 =	sld [smem:$0x3FC6]  }
0x90: {  	s3 =	sld [smem:$0x3FC5]  }
0x91: {  	s4 =	sld [smem:$0x3FC4]  }
0x92: {  	s5 =	sld [smem:$0x3FC2]  }
0x93: {  	s6 =	sld [smem:$0x3FD0];
	(tm) =	ssettm $0x1  }
0x94: {  	s7 =	sld [smem:$0x3FFB];
	_ =	sdelay $0x3  }
0x95: {  	_ =	strace s7  }
0x96: {  	s7 =	sld [smem:$0x3FFC];
	_ =	sdelay $0x3  }
0x97: {  	_ =	strace s7  }
0x98: {  	s7 =	sld [smem:$0x3FFD];
	_ =	sdelay $0x3  }
0x99: {  	_ =	strace s7  }
0x9a: {  	_ =	strace $0x8FFFFFFF  }
0x9b: {  	s17 =	sld [smem:$0x3FDB];
	_ =	sdelay $0x1  }
0x9c: {  	s8 =	simm.s32 $_scs_section_size  }
0x9d: {  	s9 =	simm.s32 $_size__tile_overlayer_lowered;
	s10 =	simm.s32 $_tile_overlayer_lowered  }
0x9e: {  	s20 =	simm.s32 $0x1BFF;
	s19 =	sshll.u32 s10, $0x1;
	s7 =	sadd.s32 s8, s17  }
0x9f: {  	s11 =	simm.s32 $0x0;
	s18 =	sshll.u32 s9, $0x1;
	s9 =	sadd.s32 s19, s7  }
0xa0: {  	[timem:s11], [sflag:s20] =	dma.local [hbm:s9], s18  }
0xa1: {  	_ =	swait.ge [sflag:s20], s18  }
0xa2: {  	s8 =	ssub.s32 $0x0, s18;
	[sflag:s20] =	ssyncset.done $0x0  }
0xa3: {  	[sflag:s20] =	ssyncadd.s32 s8;
	_ =	sdelay $0x1  }
0xa4: {  	s21 =	simm.s32 $0x1B8B  }
0xa5: {  	_ =	swait.ge [sflag:s21], $0x1  }
0xa6: {  	[sflag:s21] =	ssyncset.done $0x0  }
0xa7: {  	s23 =	simm.s32 $0x1B8E;
	s22 =	sld [smem:$0x3FFE];
	[sflag:s21] =	ssyncadd.s32 $0xFFFFFFFF  }
0xa8: {  	s24 =	simm.s32 $execute0_lowered;
	[smem:$0x3FD2] =	sst s23  }
0xa9: {  	s9 =	sshll.u32 s24, $0x1;
	_ =	strace $0x80000046;
	[dreg:$0x1] =	wrdreg $0xFFFFFFFF  }
0xaa: {  	s25 =	simm.s32 $_size_execute0_lowered;
	s7 =	sadd.s32 s7, s9;
	[dreg:$0x0] =	wrdreg $0x0  }
0xab: {  	s9 =	sshll.u32 s25, $0x1;
	[dreg:$0x2] =	wrdreg s7  }
0xac: {  	[dreg:$0x3] =	wrdreg s9  }
0xad: {  	[dreg:$0x4] =	wrdreg $0xC0  }
0xae: {  	_ =	task [dreg:s11], $0x5FFFF  }
0xaf: {  	[dreg:$0x1] =	wrdreg $0xFFFFFFFF  }
0xb0: {  	[dreg:$0x0] =	wrdreg $0x60  }
0xb1: {  	[dreg:$0x2] =	wrdreg s0  }
0xb2: {  	[dreg:$0x3] =	wrdreg s22  }
0xb3: {  	[dreg:$0x4] =	wrdreg s16  }
0xb4: {  	[dreg:$0x5] =	wrdreg s2  }
0xb5: {  	[dreg:$0x6] =	wrdreg s3  }
0xb6: {  	[dreg:$0x7] =	wrdreg s4  }
0xb7: {  	[dreg:$0x8] =	wrdreg s5  }
0xb8: {  	[dreg:$0x9] =	wrdreg s6  }
0xb9: {  	[dreg:$0xa] =	wrdreg $0x9  }
0xba: {  	_ =	task.clear_ibuf [dreg:s11], $0xBFFFF;
	_ =	strace $0x90000046  }
0xbb: {  	s26 =	simm.s32 $0x9;
	_ =	strace $0x80000048  }
0xbc: {  	_ =	swait.ge [sflag:s26], $0x1  }
0xbd: {  	[sflag:s26] =	ssyncadd.s32 $0xFFFFFFFF  }
0xbe: {  	_ =	strace $0x90000048  }
0xbf: {  	_ =	sfence  }
0xc0: {  	s28 =	sld [smem:$0x0];
	_ =	sdelay $0x1  }
0xc1: {  	s29 =	srdreg.scid  }
0xc2: {  	s30 =	sshll.u32 s29, $0xD;
	s31 =	sshrl.u32 s29, $0x2  }
0xc3: {  	s1 =	sand.u32 $0x1, s29;
	s2 =	sand.u32 $0x4000, s30;
	s0 =	sadd.s32 s31, s28  }
0xc4: {  	s1 =	sor.u32 s2, s1;
	s0 =	sshll.u32 s0, $0x11  }
0xc5: {  	s0 =	sor.u32 s0, s1  }
0xc6: {  	s0 =	sadd.s32 $0x8F2B, s0  }
0xc7: {  	[sflag:s0] =	ssyncadd.remote.s32 $0x1  }
0xc8: {  	_ =	sfence.sel $0xFFFF  }
0xc9: {  	[dreg:$0x0] =	wrdreg $0xFFFFFFFF;
	(pc) =	sbr.abs _section_cstart, $3  }
0xca: {  	[dreg:$0x1] =	wrdreg $0xFFFFFFFF  }
0xcb: {  	_ =	task.clear_ibuf [dreg:s11], $0x2FFFF;
	_ =	strace $0x9FFFFFFF  }
0xcc: {  	(tm) =	ssettm $0x7FFFFFFF  }
0xcd: {  	_ =	shalt  }
tec
execute0_lowered:
.L_overlay_start_1:
0x0: {  	(tag) =	ssettag $0x1  }
0x1: {  	s9 =	rddreg [dreg:$0x0]  }
0x2: {  	s3 =	rddreg [dreg:$0x1]  }
0x3: {  	s8 =	rddreg [dreg:$0x2];
	s2 =	stileid.u32  }
0x4: {  	s7 =	rddreg [dreg:$0x3];
	p0 =	sne.s32 s2, $0x0  }
.Ltmp0:
0x5: {  	s6 =	rddreg [dreg:$0x4];
	(pc) =	sbr.rel @p0 .LBB2_2-.Ltmp0, $4  }
0x6: {  	s5 =	rddreg [dreg:$0x5]  }
0x7: {  	s4 =	rddreg [dreg:$0x6]  }
0x8: {  	s1 =	rddreg [dreg:$0x7]  }
0x9: {  	s0 =	rddreg [dreg:$0x8];
	_ =	strace $0x80000047  }
0xa: {  	s2 =	simm.s32 $0x0  }
0xb: {  	[tilespmem:s2], [sflag:$0x1] =	stream.linear.gather [hbm4b:s9+s2], $0x1, $0x38;
	[tilespmem:$0x2780] =	vst v63  }
0xc: {  	s30 =	sadd.s32 $0x600, s3;
	s10 =	simm.s32 $0x80  }
0xd: {  	[tilespmem:s10], [sflag:$0x1] =	stream.linear.gather [hbm4b:s30+s2], $0x1388, $0x38;
	[tilespmem:$0x2780] =	vst v63  }
0xe: {  	s31 =	simm.s32 $0x1480  }
0xf: {  	[tilespmem:s31], [sflag:$0x1] =	stream.linear.gather [hbm4b:s8+s2], $0x500, $0x38;
	[tilespmem:$0x2780] =	vst v63  }
0x10: {  	s10 =	simm.s32 $0x1C80  }
0x11: {  	[tilespmem:s10], [sflag:$0x1] =	stream.linear.gather [hbm4b:s7+s2], $0x80, $0x38;
	[tilespmem:$0x2780] =	vst v63  }
0x12: {  	s11 =	simm.s32 $0x1D00  }
0x13: {  	[tilespmem:s11], [sflag:$0x1] =	stream.linear.gather [hbm4b:s6+s2], $0x800, $0x38;
	[tilespmem:$0x2780] =	vst v63  }
0x14: {  	s12 =	simm.s32 $0x2500  }
0x15: {  	[tilespmem:s12], [sflag:$0x1] =	stream.linear.gather [hbm4b:s5+s2], $0x80, $0x38;
	[tilespmem:$0x2780] =	vst v63  }
0x16: {  	s13 =	sadd.s32 $0xA00, s3;
	s14 =	simm.s32 $0x2580  }
0x17: {  	[tilespmem:s14], [sflag:$0x1] =	stream.linear.gather [hbm4b:s13+s2], $0xC0, $0x38;
	[tilespmem:$0x2780] =	vst v63  }
0x18: {  	s15 =	simm.s32 $0x2680;
	s16 =	simm.s32 $0x1  }
0x19: {  	[tilespmem:s15], [sflag:$0x1] =	stream.linear.gather [hbm4b:s4+s2], $0x6, $0x38;
	[tilespmem:$0x2780] =	vst v63  }
0x1a: {  	_ =	swait.ge [sflag:s16], $0x1  }
0x1b: {  	[sflag:s16] =	ssyncset.done $0x0  }
0x1c: {  	[sflag:s16] =	ssyncadd.s32 $0xFFFFFFFF  }
0x1d: {  	_ =	swait.ge [sflag:s16], $0x1388  }
0x1e: {  	[sflag:s16] =	ssyncset.done $0x0  }
0x1f: {  	[sflag:s16] =	ssyncadd.s32 $0xFFFFEC78  }
0x20: {  	_ =	swait.ge [sflag:s16], $0x500  }
0x21: {  	[sflag:s16] =	ssyncset.done $0x0  }
0x22: {  	[sflag:s16] =	ssyncadd.s32 $0xFFFFFB00  }
0x23: {  	_ =	swait.ge [sflag:s16], $0x80  }
0x24: {  	[sflag:s16] =	ssyncset.done $0x0  }
0x25: {  	[sflag:s16] =	ssyncadd.s32 $0xFFFFFF80  }
0x26: {  	v0 =	vld [tilespmem:$0x0];
	_ =	sdelay $0x4  }
0x27: {  	(v2sf) =	vpush v0, $0x0;
	_ =	sdelay $0xe  }
0x28: {  	s17 =	spop (v2sf)  }
0x29: {  	s4 =	smul.u32 $0x28, s17;
	_ =	sdelay $0x1  }
0x2a: {  	s4 =	sshra.s32 s4, $0x2  }
0x2b: {  	v27 =	vld [tilespmem:s4+$0x80];
	_ =	sdelay $0x1  }
0x2c: {  	v1 =	vld [tilespmem:$0x1480]  }
0x2d: {  	v2 =	vld [tilespmem:$0x1C80]  }
0x2e: {  	v3 =	vld [tilespmem:$0x1500]  }
0x2f: {  	v4 =	vbroadcast v27, $0x0  }
0x30: {  	v5 =	vld [tilespmem:$0x1580]  }
0x31: {  	v28 =	vbroadcast v27, $0x1;
	v1 =	vmul.f32 v1, v4  }
0x32: {  	v6 =	vld [tilespmem:$0x1600]  }
0x33: {  	v30 =	vbroadcast v27, $0x2;
	v29 =	vmul.f32 v3, v28;
	v1 =	vadd.f32 v1, v2  }
0x34: {  	v31 =	vld [tilespmem:$0x1680]  }
0x35: {  	v33 =	vbroadcast v27, $0x3;
	v32 =	vmul.f32 v5, v30;
	v1 =	vadd.f32 v29, v1  }
0x36: {  	v34 =	vld [tilespmem:$0x1700]  }
0x37: {  	v36 =	vbroadcast v27, $0x4;
	v35 =	vmul.f32 v6, v33;
	v1 =	vadd.f32 v32, v1  }
0x38: {  	v37 =	vld [tilespmem:$0x1780]  }
0x39: {  	v39 =	vbroadcast v27, $0x5;
	v38 =	vmul.f32 v31, v36;
	v1 =	vadd.f32 v35, v1  }
0x3a: {  	v40 =	vld [tilespmem:$0x1800]  }
0x3b: {  	v42 =	vbroadcast v27, $0x6;
	v41 =	vmul.f32 v34, v39;
	v1 =	vadd.f32 v38, v1  }
0x3c: {  	v7 =	vld [tilespmem:$0x1880]  }
0x3d: {  	v43 =	vld [tilespmem:$0x1900];
	_ =	swait.ge [sflag:s16], $0x800;
	v45 =	vbroadcast v27, $0x7;
	v44 =	vmul.f32 v37, v42;
	v1 =	vadd.f32 v41, v1  }
0x3e: {  	[sflag:s16] =	ssyncset.done $0x0  }
0x3f: {  	[sflag:s16] =	ssyncadd.s32 $0xFFFFF800;
	v47 =	vbroadcast v27, $0x8;
	v46 =	vmul.f32 v40, v45;
	v1 =	vadd.f32 v44, v1  }
0x40: {  	_ =	swait.ge [sflag:s16], $0x80  }
0x41: {  	[sflag:s16] =	ssyncset.done $0x0;
	v0 =	vbroadcast v27, $0x9;
	v48 =	vmul.f32 v7, v47;
	v1 =	vadd.f32 v46, v1  }
0x42: {  	[sflag:s16] =	ssyncadd.s32 $0xFFFFFF80  }
0x43: {  	v49 =	vld [tilespmem:$0x2500];
	v0 =	vmul.f32 v43, v0;
	v1 =	vadd.f32 v48, v1  }
0x44: {  	v50 =	vld [tilespmem:$0x2510]  }
0x45: {  	v51 =	vld [tilespmem:$0x1D00];
	v0 =	vadd.f32 v0, v1  }
0x46: {  	v52 =	vld [tilespmem:$0x1D10]  }
0x47: {  	v53 =	vld [tilespmem:$0x1D80];
	v0 =	vmax.f32 v0, $0.0e+00  }
0x48: {  	v54 =	vld [tilespmem:$0x1D90];
	v55 =	vbroadcast v0, $0x0  }
0x49: {  	v8 =	vld [tilespmem:$0x1E00]  }
0x4a: {  	v9 =	vld [tilespmem:$0x1E10];
	v10 =	vbroadcast v0, $0x1;
	v4 =	vmul.f32 v51, v55  }
0x4b: {  	v11 =	vld [tilespmem:$0x1E80]  }
0x4c: {  	v12 =	vld [tilespmem:$0x1E90];
	v57 =	vbroadcast v0, $0x2;
	v56 =	vmul.f32 v53, v10;
	v3 =	vadd.f32 v4, v49  }
0x4d: {  	v13 =	vld [tilespmem:$0x1F00]  }
0x4e: {  	v14 =	vld [tilespmem:$0x1F10];
	v59 =	vbroadcast v0, $0x3;
	v58 =	vmul.f32 v8, v57;
	v3 =	vadd.f32 v56, v3  }
0x4f: {  	v15 =	vld [tilespmem:$0x1F80]  }
0x50: {  	v16 =	vld [tilespmem:$0x1F90];
	v61 =	vbroadcast v0, $0x4;
	v60 =	vmul.f32 v11, v59;
	v3 =	vadd.f32 v58, v3  }
0x51: {  	v17 =	vld [tilespmem:$0x2000]  }
0x52: {  	v18 =	vld [tilespmem:$0x2010];
	v63 =	vbroadcast v0, $0x5;
	v62 =	vmul.f32 v13, v61;
	v3 =	vadd.f32 v60, v3  }
0x53: {  	v19 =	vld [tilespmem:$0x2080]  }
0x54: {  	v20 =	vld [tilespmem:$0x2090];
	v37 =	vmul.f32 v15, v63;
	v15 =	vbroadcast v0, $0x6;
	v3 =	vadd.f32 v62, v3  }
0x55: {  	v21 =	vld [tilespmem:$0x2100]  }
0x56: {  	v22 =	vld [tilespmem:$0x2110];
	v38 =	vmul.f32 v17, v15;
	v17 =	vbroadcast v0, $0x7;
	v3 =	vadd.f32 v37, v3  }
0x57: {  	v23 =	vld [tilespmem:$0x2180]  }
0x58: {  	v24 =	vld [tilespmem:$0x2190];
	v39 =	vmul.f32 v19, v17;
	v19 =	vbroadcast v0, $0x8;
	v3 =	vadd.f32 v38, v3  }
0x59: {  	v25 =	vld [tilespmem:$0x2200]  }
0x5a: {  	v26 =	vld [tilespmem:$0x2210];
	v40 =	vmul.f32 v21, v19;
	v21 =	vbroadcast v0, $0x9;
	v3 =	vadd.f32 v39, v3  }
0x5b: {  	v27 =	vld [tilespmem:$0x2280]  }
0x5c: {  	v28 =	vld [tilespmem:$0x2290];
	v41 =	vmul.f32 v23, v21;
	v23 =	vbroadcast v0, $0xA;
	v3 =	vadd.f32 v40, v3  }
0x5d: {  	v29 =	vld [tilespmem:$0x2300]  }
0x5e: {  	v30 =	vld [tilespmem:$0x2310];
	v42 =	vmul.f32 v25, v23;
	v25 =	vbroadcast v0, $0xB;
	v3 =	vadd.f32 v41, v3  }
0x5f: {  	v31 =	vld [tilespmem:$0x2380]  }
0x60: {  	v33 =	vld [tilespmem:$0x2400];
	v43 =	vmul.f32 v27, v25;
	v27 =	vbroadcast v0, $0xC;
	v3 =	vadd.f32 v42, v3  }
0x61: {  	v34 =	vld [tilespmem:$0x2410]  }
0x62: {  	v36 =	vld [tilespmem:$0x2490];
	v44 =	vmul.f32 v29, v27;
	v29 =	vbroadcast v0, $0xD;
	v3 =	vadd.f32 v43, v3  }
0x63: {  	v35 =	vld [tilespmem:$0x2480]  }
0x64: {  	v32 =	vld [tilespmem:$0x2390];
	_ =	swait.ge [sflag:s16], $0xC0;
	v45 =	vmul.f32 v31, v29;
	v31 =	vbroadcast v0, $0xE;
	v3 =	vadd.f32 v44, v3  }
0x65: {  	[sflag:s16] =	ssyncset.done $0x0  }
0x66: {  	[sflag:s16] =	ssyncadd.s32 $0xFFFFFF40;
	v0 =	vbroadcast v0, $0xF;
	v46 =	vmul.f32 v33, v31;
	v3 =	vadd.f32 v45, v3  }
0x67: {  	_ =	swait.ge [sflag:s16], $0x6  }
0x68: {  	[sflag:s16] =	ssyncset.done $0x0;
	v47 =	vmul.f32 v35, v0;
	v3 =	vadd.f32 v46, v3  }
0x69: {  	[sflag:s16] =	ssyncadd.s32 $0xFFFFFFFA  }
0x6a: {  	v48 =	vld [tilespmem:$0x2580];
	v1 =	vmul.f32 v52, v55;
	v3 =	vadd.f32 v47, v3  }
0x6b: {  	v51 =	vld [tilespmem:$0x2586]  }
0x6c: {  	v49 =	vld [tilespmem:$0x2680];
	v1 =	vadd.f32 v1, v50;
	v50 =	vmul.f32 v54, v10;
	v3 =	vmax.f32 v3, $0.0e+00  }
0x6d: {  	v52 =	vbroadcast v3, $0x0  }
0x6e: {  	v53 =	vmul.f32 v9, v57;
	v54 =	vld [tilespmem:$0x258C];
	v1 =	vadd.f32 v50, v1  }
0x6f: {  	v55 =	vbroadcast v3, $0x1;
	v4 =	vmul.f32 v48, v52  }
0x70: {  	v57 =	vld [tilespmem:$0x2592];
	v56 =	vmul.f32 v12, v59;
	v1 =	vadd.f32 v53, v1  }
0x71: {  	v58 =	vbroadcast v3, $0x2;
	v6 =	vmul.f32 v51, v55;
	v4 =	vadd.f32 v4, v49  }
0x72: {  	v59 =	vmul.f32 v14, v61;
	v1 =	vadd.f32 v56, v1;
	v60 =	vld [tilespmem:$0x2598]  }
0x73: {  	v61 =	vbroadcast v3, $0x3;
	v5 =	vmul.f32 v54, v58;
	v4 =	vadd.f32 v6, v4  }
0x74: {  	v1 =	vadd.f32 v59, v1;
	v62 =	vmul.f32 v16, v63;
	v63 =	vld [tilespmem:$0x259E]  }
0x75: {  	v13 =	vbroadcast v3, $0x4;
	v12 =	vmul.f32 v57, v61;
	v4 =	vadd.f32 v5, v4  }
0x76: {  	v14 =	vmul.f32 v18, v15;
	v15 =	vld [tilespmem:$0x25A4];
	v1 =	vadd.f32 v62, v1  }
0x77: {  	v18 =	vbroadcast v3, $0x5;
	v16 =	vmul.f32 v60, v13;
	v4 =	vadd.f32 v12, v4  }
0x78: {  	v1 =	vadd.f32 v14, v1;
	v33 =	vmul.f32 v20, v17;
	v35 =	vld [tilespmem:$0x25AA]  }
0x79: {  	v38 =	vbroadcast v3, $0x6;
	v37 =	vmul.f32 v63, v18;
	v4 =	vadd.f32 v16, v4  }
0x7a: {  	v39 =	vmul.f32 v22, v19;
	v40 =	vld [tilespmem:$0x25B0];
	v1 =	vadd.f32 v33, v1  }
0x7b: {  	v42 =	vbroadcast v3, $0x7;
	v41 =	vmul.f32 v15, v38;
	v4 =	vadd.f32 v37, v4  }
0x7c: {  	v1 =	vadd.f32 v39, v1;
	v43 =	vmul.f32 v24, v21;
	v44 =	vld [tilespmem:$0x25B6]  }
0x7d: {  	v46 =	vbroadcast v3, $0x8;
	v45 =	vmul.f32 v35, v42;
	v4 =	vadd.f32 v41, v4  }
0x7e: {  	v1 =	vadd.f32 v43, v1;
	v47 =	vmul.f32 v26, v23;
	v48 =	vld [tilespmem:$0x25BC]  }
0x7f: {  	v50 =	vbroadcast v3, $0x9;
	v49 =	vmul.f32 v40, v46;
	v4 =	vadd.f32 v45, v4  }
0x80: {  	v1 =	vadd.f32 v47, v1;
	v51 =	vmul.f32 v28, v25;
	v52 =	vld [tilespmem:$0x25C2]  }
0x81: {  	v53 =	vmul.f32 v44, v50;
	v54 =	vbroadcast v3, $0xA;
	v4 =	vadd.f32 v49, v4  }
0x82: {  	v56 =	vld [tilespmem:$0x25C8];
	v55 =	vmul.f32 v30, v27;
	v1 =	vadd.f32 v51, v1  }
0x83: {  	v58 =	vbroadcast v3, $0xB;
	v57 =	vmul.f32 v48, v54;
	v4 =	vadd.f32 v53, v4  }
0x84: {  	v59 =	vmul.f32 v32, v29;
	v60 =	vld [tilespmem:$0x25CE];
	v1 =	vadd.f32 v55, v1  }
0x85: {  	v62 =	vbroadcast v3, $0xC;
	v61 =	vmul.f32 v52, v58;
	v4 =	vadd.f32 v57, v4  }
0x86: {  	v10 =	vld [tilespmem:$0x25D4];
	v63 =	vmul.f32 v34, v31;
	v1 =	vadd.f32 v59, v1  }
0x87: {  	v11 =	vmul.f32 v56, v62;
	v12 =	vbroadcast v3, $0xD;
	v4 =	vadd.f32 v61, v4  }
0x88: {  	v0 =	vmul.f32 v36, v0;
	v13 =	vld [tilespmem:$0x25DA];
	v1 =	vadd.f32 v63, v1  }
0x89: {  	v15 =	vbroadcast v3, $0xE;
	v14 =	vmul.f32 v60, v12;
	v4 =	vadd.f32 v11, v4  }
0x8a: {  	v0 =	vadd.f32 v0, v1;
	v16 =	vld [tilespmem:$0x25E0]  }
0x8b: {  	v17 =	vmul.f32 v10, v15;
	v3 =	vbroadcast v3, $0xF;
	v4 =	vadd.f32 v14, v4  }
0x8c: {  	v18 =	vld [tilespmem:$0x25E6];
	v0 =	vmax.f32 v0, $0.0e+00  }
0x8d: {  	v2 =	vmul.f32 v13, v3;
	v19 =	vbroadcast v0, $0x0;
	v4 =	vadd.f32 v17, v4  }
0x8e: {  	v20 =	vld [tilespmem:$0x25EC]  }
0x8f: {  	v21 =	vbroadcast v0, $0x1;
	v1 =	vmul.f32 v16, v19;
	v2 =	vadd.f32 v2, v4  }
0x90: {  	v22 =	vld [tilespmem:$0x25F2]  }
0x91: {  	v24 =	vbroadcast v0, $0x2;
	v23 =	vmul.f32 v18, v21;
	v1 =	vadd.f32 v1, v2  }
0x92: {  	v25 =	vld [tilespmem:$0x25F8]  }
0x93: {  	v27 =	vbroadcast v0, $0x3;
	v26 =	vmul.f32 v20, v24;
	v1 =	vadd.f32 v23, v1  }
0x94: {  	v28 =	vld [tilespmem:$0x25FE]  }
0x95: {  	v30 =	vbroadcast v0, $0x4;
	v29 =	vmul.f32 v22, v27;
	v1 =	vadd.f32 v26, v1  }
0x96: {  	v31 =	vld [tilespmem:$0x2604]  }
0x97: {  	v33 =	vbroadcast v0, $0x5;
	v32 =	vmul.f32 v25, v30;
	v1 =	vadd.f32 v29, v1  }
0x98: {  	v34 =	vld [tilespmem:$0x260A]  }
0x99: {  	v36 =	vbroadcast v0, $0x6;
	v35 =	vmul.f32 v28, v33;
	v1 =	vadd.f32 v32, v1  }
0x9a: {  	v37 =	vld [tilespmem:$0x2610]  }
0x9b: {  	v39 =	vbroadcast v0, $0x7;
	v38 =	vmul.f32 v31, v36;
	v1 =	vadd.f32 v35, v1  }
0x9c: {  	v40 =	vld [tilespmem:$0x2616]  }
0x9d: {  	v42 =	vbroadcast v0, $0x8;
	v41 =	vmul.f32 v34, v39;
	v1 =	vadd.f32 v38, v1  }
0x9e: {  	v43 =	vld [tilespmem:$0x261C]  }
0x9f: {  	v45 =	vbroadcast v0, $0x9;
	v44 =	vmul.f32 v37, v42;
	v1 =	vadd.f32 v41, v1  }
0xa0: {  	v46 =	vld [tilespmem:$0x2622]  }
0xa1: {  	v48 =	vbroadcast v0, $0xA;
	v47 =	vmul.f32 v40, v45;
	v1 =	vadd.f32 v44, v1  }
0xa2: {  	v49 =	vld [tilespmem:$0x2628]  }
0xa3: {  	v51 =	vbroadcast v0, $0xB;
	v50 =	vmul.f32 v43, v48;
	v1 =	vadd.f32 v47, v1  }
0xa4: {  	v52 =	vld [tilespmem:$0x262E]  }
0xa5: {  	v54 =	vbroadcast v0, $0xC;
	v53 =	vmul.f32 v46, v51;
	v1 =	vadd.f32 v50, v1  }
0xa6: {  	v55 =	vld [tilespmem:$0x2634]  }
0xa7: {  	v57 =	vbroadcast v0, $0xD;
	v56 =	vmul.f32 v49, v54;
	v1 =	vadd.f32 v53, v1  }
0xa8: {  	v58 =	vld [tilespmem:$0x263A]  }
0xa9: {  	v60 =	vbroadcast v0, $0xE;
	v59 =	vmul.f32 v52, v57;
	v1 =	vadd.f32 v56, v1;
	_ =	sdelay $0x1  }
0xaa: {  	v0 =	vbroadcast v0, $0xF;
	v61 =	vmul.f32 v55, v60;
	v1 =	vadd.f32 v59, v1;
	_ =	sdelay $0x1  }
0xab: {  	v0 =	vmul.f32 v58, v0;
	v1 =	vadd.f32 v61, v1;
	_ =	sdelay $0x1  }
0xac: {  	v0 =	vadd.f32 v0, v1;
	_ =	sdelay $0x1  }
0xad: {  	(v2sf) =	vpush v0, $0x0  }
0xae: {  	(v2sf) =	vpush v0, $0x1  }
0xaf: {  	(v2sf) =	vpush v0, $0x2  }
0xb0: {  	(v2sf) =	vpush v0, $0x3  }
0xb1: {  	(v2sf) =	vpush v0, $0x4  }
0xb2: {  	(v2sf) =	vpush v0, $0x5;
	_ =	sdelay $0x9  }
0xb3: {  	s18 =	spop (v2sf)  }
0xb4: {  	s19 =	spop (v2sf)  }
0xb5: {  	s4 =	smax.f32 s18, s19;
	s20 =	spop (v2sf)  }
0xb6: {  	s4 =	smax.f32 s4, s20;
	s21 =	spop (v2sf)  }
0xb7: {  	s4 =	smax.f32 s4, s21;
	s22 =	spop (v2sf)  }
0xb8: {  	s4 =	smax.f32 s4, s22;
	s23 =	spop (v2sf)  }
0xb9: {  	vm0 =	vmmov $0x3f;
	s4 =	smax.f32 s4, s23  }
0xba: {  	v0 =	vnsel vm0, $0xF149F2CA, v0;
	v62 =	vmov s4  }
0xbb: {  	v0 =	vsub.f32 v0, v62;
	_ =	sdelay $0x1  }
0xbc: {  	v0 =	vmul.f32 $1.442695020e+00, v0;
	_ =	sdelay $0x1  }
0xbd: {  	(erf) = vpow2.f32 v0;
	_ =	sdelay $0x8  }
0xbe: {  	v0 =	vpop (erf)  }
0xbf: {  	(v2sf) =	vpush v0, $0x0  }
0xc0: {  	(v2sf) =	vpush v0, $0x1;
	_ =	sdelay $0x1  }
0xc1: {  	(v2sf) =	vpush v0, $0x2;
	_ =	sdelay $0x1  }
0xc2: {  	(v2sf) =	vpush v0, $0x3;
	_ =	sdelay $0x1  }
0xc3: {  	(v2sf) =	vpush v0, $0x4;
	_ =	sdelay $0x1  }
0xc4: {  	(v2sf) =	vpush v0, $0x5;
	_ =	sdelay $0x5  }
0xc5: {  	s24 =	spop (v2sf)  }
0xc6: {  	s25 =	spop (v2sf)  }
0xc7: {  	s4 =	sadd.f32 s25, s24  }
0xc8: {  	s26 =	spop (v2sf)  }
0xc9: {  	s4 =	sadd.f32 s4, s26  }
0xca: {  	s28 =	spop (v2sf)  }
0xcb: {  	s4 =	sadd.f32 s4, s28  }
0xcc: {  	s29 =	spop (v2sf)  }
0xcd: {  	s4 =	sadd.f32 s4, s29  }
0xce: {  	s30 =	spop (v2sf)  }
0xcf: {  	s4 =	sadd.f32 s4, s30;
	_ =	sdelay $0x1  }
0xd0: {  	v63 =	vmov s4  }
0xd1: {  	(erf) = vrcp.f32 v63;
	_ =	sdelay $0x8  }
0xd2: {  	v1 =	vpop (erf)  }
0xd3: {  	v0 =	vmul.f32 v1, v0;
	_ =	sdelay $0x1  }
0xd4: {  	s31 =	simm.s32 $0x2700;
	[tilespmem:$0x2700] =	vst v0  }
0xd5: {  	[hbm4b:s1+s2] =	stream.linear.scatter [tilespmem:s31], [sflag:$0x1], $0x6, $0x38;
	[tilespmem:$0x2780] =	vst v63  }
0xd6: {  	_ =	swait.ge [sflag:s16], $0x6  }
0xd7: {  	[sflag:s16] =	ssyncset.done $0x0  }
0xd8: {  	[sflag:s16] =	ssyncadd.s32 $0xFFFFFFFA  }
.LBB2_2:
0xd9: {  	_ =	sfence.sel $0x180000  }
0xda: {  	[bflag:$0x0] =	sbarrier.arrive $0xFFFF  }
0xdb: {  	_ =	strace $0x90000047  }
0xdc: {  	s0 =	sadd.s32 @!p0 $0x100000, s0;
	[bflag:$0x2] =	sbarrier.arrive $0xFFFF  }
0xdd: {  	[sflag:s0] =	ssyncadd.tile.s32 @!p0 $0x1;
	_ =	shalt  }
.Lfunc_end2:
_tile_overlayer_lowered:
.L_overlay_start_2:
0xde: {  	(tag) =	ssettag $0x2  }
0xdf: {  	s0 =	rddreg [dreg:$0x0];
	s2 =	stileid.u32  }
0xe0: {  	s1 =	rddreg [dreg:$0x1];
	p0 =	sne.s32 s2, $0x0  }
0xe1: {  	s3 =	rddreg [dreg:$0x2];
	[bflag:$0x3] =	sbarrier.arrive $0xFFFF;
	s2 =	simm.s32 @!p0 $0x1C02  }
0xe2: {  	[timem:s3], [sflag:s2] =	dma.local @!p0 [hbm:s0], s1  }
0xe3: {  	s0 =	simm.s32 @!p0 $0x2  }
0xe4: {  	_ =	swait.ge @!p0 [sflag:s0], s1  }
0xe5: {  	s1 =	ssub.s32 @!p0 $0x0, s1;
	[sflag:s0] =	ssyncset.done @!p0 $0x0  }
0xe6: {  	[sflag:s0] =	ssyncadd.s32 @!p0 s1  }
0xe7: {  	[bflag:$0x3] =	sbarrier.arrive $0xFFFF  }
0xe8: {  	_ =	shalt  }

</sc_bundles>
